<compile_context>
chip_gen: v7x
topology: tpu7x:2x2x1
jax: 0.10.2.dev20260603
libtpu: 0.0.44.dev20260713+nightly
codegen_flags: <defaults>
</compile_context>

<pallas_src>
import jax
import jax.numpy as jnp
from jax import lax
from jax.experimental import pallas as pl
from jax.experimental.pallas import tpu as pltpu
from jax.experimental.pallas import tpu_sc as plsc

N_TOK = 32768
N_SENT = 2048
N_DOC = 16
D = 128

NC = 2
NS = 16
NW = NC * NS
CHUNK = 128
TOK_PER_W = N_TOK // NW
NCHUNK = TOK_PER_W // CHUNK
ROWS_PER_TILE = N_SENT // NS
CNT_R = N_SENT // D


NBUF = 4


def _sc_body(tok_hbm, seg_hbm, table_hbm,
             psum_hbm, pcnt_hbm,
             acc, tok_v, seg_v, bufs, cnt_loc, gsems, ssems):
    cid = lax.axis_index("c")
    sid = lax.axis_index("s")
    w = cid * NS + sid

    row0 = sid * ROWS_PER_TILE
    pltpu.sync_copy(tok_hbm.at[w], tok_v)

    gath = [None] * NCHUNK
    scat = [None] * NCHUNK
    for j in range(NBUF - 1):
        gath[j] = pltpu.async_copy(table_hbm.at[tok_v.at[j]],
                                   bufs[j % NBUF], gsems[j % NBUF])

    pltpu.sync_copy(seg_hbm.at[w], seg_v)

    zero16 = jnp.zeros((16,), jnp.float32)

    def _zero_body(r, carry):
        for c in range(D // 16):
            cnt_loc[r, pl.ds(c * 16, 16)] = zero16
        return carry

    lax.fori_loop(0, CNT_R, _zero_body, 0, unroll=False)
    for k in range(ROWS_PER_TILE // CNT_R):
        pltpu.sync_copy(cnt_loc, acc.at[pl.ds(row0 + k * CNT_R, CNT_R)])

    ones16 = jnp.ones((16,), jnp.float32)

    def _cnt_body(j, carry):
        for c in range(CHUNK // 16):
            seg = seg_v[j, pl.ds(c * 16, 16)]
            plsc.addupdate_scatter(
                cnt_loc,
                [lax.shift_right_logical(seg, 7), lax.bitwise_and(seg, 127)],
                ones16)
        return carry

    lax.fori_loop(0, NCHUNK, _cnt_body, 0, unroll=False)
    pltpu.sync_copy(cnt_loc, pcnt_hbm.at[w])
    plsc.subcore_barrier()

    for j in range(NCHUNK):
        nj = j + NBUF - 1
        if nj < NCHUNK:
            if j - 1 >= 0:
                scat[j - 1].wait()
            gath[nj] = pltpu.async_copy(table_hbm.at[tok_v.at[nj]],
                                        bufs[nj % NBUF], gsems[nj % NBUF])
        gath[j].wait()
        scat[j] = pltpu.async_copy(bufs[j % NBUF], acc.at[seg_v.at[j]],
                                   ssems[j % NBUF], add=True)
    for j in range(NCHUNK):
        if scat[j] is not None and j >= NCHUNK - NBUF:
            scat[j].wait()
    plsc.subcore_barrier()

    pltpu.sync_copy(acc.at[pl.ds(row0, ROWS_PER_TILE)],
                    psum_hbm.at[cid, pl.ds(row0, ROWS_PER_TILE)])


_sc_segsum = pl.kernel(
    _sc_body,
    out_type=(jax.ShapeDtypeStruct((NC, N_SENT, D), jnp.float32),
              jax.ShapeDtypeStruct((NW, CNT_R, D), jnp.float32)),
    mesh=plsc.VectorSubcoreMesh(core_axis_name="c", subcore_axis_name="s",
                                num_cores=NC, num_subcores=NS),
    scratch_types=[
        pltpu.VMEM_SHARED((N_SENT, D), jnp.float32),
        pltpu.VMEM((NCHUNK, CHUNK), jnp.int32),
        pltpu.VMEM((NCHUNK, CHUNK), jnp.int32),
        [pltpu.VMEM((CHUNK, D), jnp.float32) for _ in range(NBUF)],
        pltpu.VMEM((CNT_R, D), jnp.float32),
        [pltpu.SemaphoreType.DMA for _ in range(NBUF)],
        [pltpu.SemaphoreType.DMA for _ in range(NBUF)],
    ],
    compiler_params=pltpu.CompilerParams(needs_layout_passes=False),
)


def _tc_body(ps_ref, pc_ref, did_ref, ws_ref, wd_ref, out_ref):
    sent_sum = ps_ref[0] + ps_ref[1]
    cnt2d = jnp.sum(pc_ref[...], axis=0)
    cnt3 = jnp.maximum(cnt2d, 1.0)[:, :, None]
    sent_avg = (sent_sum.reshape(CNT_R, D, D) / cnt3).reshape(N_SENT, D)
    sent_embs = jnp.tanh(
        jnp.dot(sent_avg, ws_ref[...], preferred_element_type=jnp.float32))
    did = did_ref[...]
    onehot = (lax.broadcasted_iota(jnp.int32, (N_DOC, N_SENT), 0)
              == did).astype(jnp.float32)
    doc_sum = jnp.dot(onehot, sent_embs, preferred_element_type=jnp.float32)
    doc_cnt = jnp.sum(onehot, axis=1, keepdims=True)
    doc_avg = doc_sum / jnp.maximum(doc_cnt, 1.0)
    out_ref[...] = jnp.tanh(
        jnp.dot(doc_avg, wd_ref[...], preferred_element_type=jnp.float32))


_tc_finish = pl.pallas_call(
    _tc_body,
    out_shape=jax.ShapeDtypeStruct((N_DOC, D), jnp.float32),
)


def kernel(token_ids, sent_seg_ids, doc_seg_ids, table, W_sent, W_doc):
    tok3 = token_ids.astype(jnp.int32).reshape(NW, NCHUNK, CHUNK)
    seg3 = sent_seg_ids.astype(jnp.int32).reshape(NW, NCHUNK, CHUNK)
    psum, pcnt = _sc_segsum(tok3, seg3, table)
    did = doc_seg_ids.astype(jnp.int32).reshape(1, N_SENT)
    return _tc_finish(psum, pcnt, did, W_sent, W_doc)

# --- scband reference (transcript-rebuilt; emitter-appended) ---
"""Pipeline reference for scband-base-encode-module-55731495633217 (READ-ONLY COPY).

The authoritative reference and input builder live on the scoring server;
editing this copy changes nothing except your own understanding.
"""

import jax, jax.numpy as jnp
import numpy as np

N_TOK = 32768
N_SENT = 2048
N_DOC = 16
VOCAB = 100000
D = 128


def setup_inputs(seed: int = 0) -> dict:
    key = jax.random.key(seed)
    k1, k2, k3, k4, k5, k6 = jax.random.split(key, 6)
    token_ids = jax.random.randint(k1, (N_TOK,), 0, VOCAB)
    sent_seg_ids = jnp.sort(jax.random.randint(k2, (N_TOK,), 0, N_SENT))
    doc_seg_ids = jnp.sort(jax.random.randint(k3, (N_SENT,), 0, N_DOC))
    table = jax.random.normal(k4, (VOCAB, D), dtype=jnp.float32) * 0.02
    W_sent = jax.random.normal(k5, (D, D), dtype=jnp.float32) * 0.02
    W_doc = jax.random.normal(k6, (D, D), dtype=jnp.float32) * 0.02
    return {"token_ids": token_ids, "sent_seg_ids": sent_seg_ids,
            "doc_seg_ids": doc_seg_ids, "table": table,
            "W_sent": W_sent, "W_doc": W_doc}


def reference(token_ids, sent_seg_ids, doc_seg_ids, table, W_sent, W_doc):
    # Faithful hierarchical ragged encoding matching _encode_docs_impl with
    # sent_layer + doc_layer present (frag_layer == None):
    # 1) encode flat sentences (token embedding gather + pooled_out per sentence)
    # 2) pool sentence embeddings per doc via doc_layer -> pooled_out
    tok_emb = jnp.take(table, token_ids, axis=0)  # gather (SparseCore)
    sent_sum = jax.ops.segment_sum(tok_emb, sent_seg_ids, num_segments=N_SENT)
    sent_cnt = jax.ops.segment_sum(jnp.ones((token_ids.shape[0], 1), jnp.float32),
                                   sent_seg_ids, num_segments=N_SENT)
    sent_embs = sent_sum / jnp.maximum(sent_cnt, 1.0)
    sent_embs = jnp.tanh(sent_embs @ W_sent)  # sent_layer.pooled_out projection
    doc_sum = jax.ops.segment_sum(sent_embs, doc_seg_ids, num_segments=N_DOC)
    doc_cnt = jax.ops.segment_sum(jnp.ones((N_SENT, 1), jnp.float32),
                                  doc_seg_ids, num_segments=N_DOC)
    doc_embs = doc_sum / jnp.maximum(doc_cnt, 1.0)
    doc_embs = jnp.tanh(doc_embs @ W_doc)  # doc_layer.pooled_out projection
    return doc_embs

if __name__ == "__main__":
    import jax
    _d = setup_inputs()
    print(jax.jit(kernel)(*tuple(_d.values())))

</pallas_src>

<mosaic_0001>
#map = affine_map<(d0, d1) -> (0, 0, 0)>
#map1 = affine_map<(d0, d1) -> (0, 0)>
module attributes {stable_mosaic.version = 14 : i64} {
  func.func @_sc_body(%arg0: i32, %arg1: i32, %arg2: memref<32x8x128xi32, #tpu.memory_space<hbm>>, %arg3: memref<32x8x128xi32, #tpu.memory_space<hbm>>, %arg4: memref<100000x128xf32, #tpu.memory_space<hbm>>, %arg5: memref<2x2048x128xf32, #tpu.memory_space<hbm>>, %arg6: memref<32x16x128xf32, #tpu.memory_space<hbm>>, %arg7: memref<2048x128xf32, #tpu.memory_space<vmem_shared>>, %arg8: memref<8x128xi32, #tpu.memory_space<vmem>>, %arg9: memref<8x128xi32, #tpu.memory_space<vmem>>, %arg10: memref<128x128xf32, #tpu.memory_space<vmem>>, %arg11: memref<128x128xf32, #tpu.memory_space<vmem>>, %arg12: memref<128x128xf32, #tpu.memory_space<vmem>>, %arg13: memref<128x128xf32, #tpu.memory_space<vmem>>, %arg14: memref<16x128xf32, #tpu.memory_space<vmem>>, %arg15: memref<!tpu.dma_semaphore, #tpu.memory_space<semaphore_mem>>, %arg16: memref<!tpu.dma_semaphore, #tpu.memory_space<semaphore_mem>>, %arg17: memref<!tpu.dma_semaphore, #tpu.memory_space<semaphore_mem>>, %arg18: memref<!tpu.dma_semaphore, #tpu.memory_space<semaphore_mem>>, %arg19: memref<!tpu.dma_semaphore, #tpu.memory_space<semaphore_mem>>, %arg20: memref<!tpu.dma_semaphore, #tpu.memory_space<semaphore_mem>>, %arg21: memref<!tpu.dma_semaphore, #tpu.memory_space<semaphore_mem>>, %arg22: memref<!tpu.dma_semaphore, #tpu.memory_space<semaphore_mem>>) attributes {dimension_semantics = [#tpu.dimension_semantics<core_parallel>, #tpu.dimension_semantics<subcore_parallel>], iteration_bounds = array<i64: 2, 16>, scalar_prefetch = 0 : i64, scratch_operands = 16 : i64, tpu.core_type = #tpu.core_type<sc_vector_subcore>, window_params = [{transform_indices = #map}, {transform_indices = #map}, {transform_indices = #map1}, {transform_indices = #map}, {transform_indices = #map}]} {
    %mul3A = arith.constant 16 : i32
    %mul3A_0 = arith.muli %arg0, %mul3A : i32
    %add3A = arith.addi %mul3A_0, %arg1 : i32
    %mul3A_1 = arith.constant 128 : i32
    %mul3A_2 = arith.muli %arg1, %mul3A_1 : i32
    "tpu.region"() ({
      %run_scoped3A = tpu.sem_alloc : memref<!tpu.dma_semaphore, #tpu.memory_space<semaphore_mem>>
      %dma_start3A_256 = arith.constant 0 : i32
      %dma_start3A_257 = arith.constant 0 : i32
      %dma_start3A_258 = tpu.memref_slice %arg2[%add3A, %dma_start3A_256, %dma_start3A_257] : memref<32x8x128xi32, #tpu.memory_space<hbm>> -> memref<1x8x128xi32, #tpu.memory_space<hbm>>
      %dma_start3A_259 = tpu.memref_squeeze %dma_start3A_258 : memref<1x8x128xi32, #tpu.memory_space<hbm>> -> memref<8x128xi32, #tpu.memory_space<hbm>>
      %dma_start3A_260 = arith.constant 0 : i32
      %dma_start3A_261 = arith.constant 0 : i32
      %dma_start3A_262 = tpu.memref_slice %arg2[%add3A, %dma_start3A_260, %dma_start3A_261] : memref<32x8x128xi32, #tpu.memory_space<hbm>> -> memref<1x8x128xi32, #tpu.memory_space<hbm>>
      %dma_start3A_263 = tpu.memref_squeeze %dma_start3A_262 : memref<1x8x128xi32, #tpu.memory_space<hbm>> -> memref<8x128xi32, #tpu.memory_space<hbm>>
      tpu.enqueue_dma source(%dma_start3A_263 : memref<8x128xi32, #tpu.memory_space<hbm>>) target(%arg8 : memref<8x128xi32, #tpu.memory_space<vmem>>) target_semaphore(%run_scoped3A : memref<!tpu.dma_semaphore, #tpu.memory_space<semaphore_mem>>)
      %dma_wait3A_264 = arith.constant 0 : i32
      %dma_wait3A_265 = arith.constant 0 : i32
      %dma_wait3A_266 = tpu.memref_slice %arg2[%add3A, %dma_wait3A_264, %dma_wait3A_265] : memref<32x8x128xi32, #tpu.memory_space<hbm>> -> memref<1x8x128xi32, #tpu.memory_space<hbm>>
      %dma_wait3A_267 = tpu.memref_squeeze %dma_wait3A_266 : memref<1x8x128xi32, #tpu.memory_space<hbm>> -> memref<8x128xi32, #tpu.memory_space<hbm>>
      %dma_wait3A_268 = arith.constant 0 : i32
      %dma_wait3A_269 = arith.constant 0 : i32
      %dma_wait3A_270 = tpu.memref_slice %arg2[%add3A, %dma_wait3A_268, %dma_wait3A_269] : memref<32x8x128xi32, #tpu.memory_space<hbm>> -> memref<1x8x128xi32, #tpu.memory_space<hbm>>
      %dma_wait3A_271 = tpu.memref_squeeze %dma_wait3A_270 : memref<1x8x128xi32, #tpu.memory_space<hbm>> -> memref<8x128xi32, #tpu.memory_space<hbm>>
      tpu.wait_dma2 semaphore(%run_scoped3A : memref<!tpu.dma_semaphore, #tpu.memory_space<semaphore_mem>>) src(%dma_wait3A_271 : memref<8x128xi32, #tpu.memory_space<hbm>>) dst(%arg8 : memref<8x128xi32, #tpu.memory_space<vmem>>)
      tpu.yield
    }) : () -> ()
    %dma_start3A = arith.constant 0 : i32
    %dma_start3A_3 = arith.constant 0 : i32
    %dma_start3A_4 = tpu.memref_slice %arg8[%dma_start3A, %dma_start3A_3] : memref<8x128xi32, #tpu.memory_space<vmem>> -> memref<1x128xi32, #tpu.memory_space<vmem>>
    %dma_start3A_5 = tpu.memref_squeeze %dma_start3A_4 : memref<1x128xi32, #tpu.memory_space<vmem>> -> memref<128xi32, #tpu.memory_space<vmem>>
    %dma_start3A_6 = arith.constant 0 : i32
    %dma_start3A_7 = arith.constant 0 : i32
    %dma_start3A_8 = tpu.memref_slice %arg4[%dma_start3A_6, %dma_start3A_7] : memref<100000x128xf32, #tpu.memory_space<hbm>> -> memref<100000x128xf32, #tpu.memory_space<hbm>>
    tpu.enqueue_indirect_dma source(%dma_start3A_8 : memref<100000x128xf32, #tpu.memory_space<hbm>>) target(%arg10 : memref<128x128xf32, #tpu.memory_space<vmem>>) offsets(%dma_start3A_5 : memref<128xi32, #tpu.memory_space<vmem>>) semaphore(%arg15 : memref<!tpu.dma_semaphore, #tpu.memory_space<semaphore_mem>>)
    %dma_start3A_9 = arith.constant 1 : i32
    %dma_start3A_10 = arith.constant 0 : i32
    %dma_start3A_11 = tpu.memref_slice %arg8[%dma_start3A_9, %dma_start3A_10] : memref<8x128xi32, #tpu.memory_space<vmem>> -> memref<1x128xi32, #tpu.memory_space<vmem>>
    %dma_start3A_12 = tpu.memref_squeeze %dma_start3A_11 : memref<1x128xi32, #tpu.memory_space<vmem>> -> memref<128xi32, #tpu.memory_space<vmem>>
    %dma_start3A_13 = arith.constant 0 : i32
    %dma_start3A_14 = arith.constant 0 : i32
    %dma_start3A_15 = tpu.memref_slice %arg4[%dma_start3A_13, %dma_start3A_14] : memref<100000x128xf32, #tpu.memory_space<hbm>> -> memref<100000x128xf32, #tpu.memory_space<hbm>>
    tpu.enqueue_indirect_dma source(%dma_start3A_15 : memref<100000x128xf32, #tpu.memory_space<hbm>>) target(%arg11 : memref<128x128xf32, #tpu.memory_space<vmem>>) offsets(%dma_start3A_12 : memref<128xi32, #tpu.memory_space<vmem>>) semaphore(%arg16 : memref<!tpu.dma_semaphore, #tpu.memory_space<semaphore_mem>>)
    %dma_start3A_16 = arith.constant 2 : i32
    %dma_start3A_17 = arith.constant 0 : i32
    %dma_start3A_18 = tpu.memref_slice %arg8[%dma_start3A_16, %dma_start3A_17] : memref<8x128xi32, #tpu.memory_space<vmem>> -> memref<1x128xi32, #tpu.memory_space<vmem>>
    %dma_start3A_19 = tpu.memref_squeeze %dma_start3A_18 : memref<1x128xi32, #tpu.memory_space<vmem>> -> memref<128xi32, #tpu.memory_space<vmem>>
    %dma_start3A_20 = arith.constant 0 : i32
    %dma_start3A_21 = arith.constant 0 : i32
    %dma_start3A_22 = tpu.memref_slice %arg4[%dma_start3A_20, %dma_start3A_21] : memref<100000x128xf32, #tpu.memory_space<hbm>> -> memref<100000x128xf32, #tpu.memory_space<hbm>>
    tpu.enqueue_indirect_dma source(%dma_start3A_22 : memref<100000x128xf32, #tpu.memory_space<hbm>>) target(%arg12 : memref<128x128xf32, #tpu.memory_space<vmem>>) offsets(%dma_start3A_19 : memref<128xi32, #tpu.memory_space<vmem>>) semaphore(%arg17 : memref<!tpu.dma_semaphore, #tpu.memory_space<semaphore_mem>>)
    "tpu.region"() ({
      %run_scoped3A = tpu.sem_alloc : memref<!tpu.dma_semaphore, #tpu.memory_space<semaphore_mem>>
      %dma_start3A_256 = arith.constant 0 : i32
      %dma_start3A_257 = arith.constant 0 : i32
      %dma_start3A_258 = tpu.memref_slice %arg3[%add3A, %dma_start3A_256, %dma_start3A_257] : memref<32x8x128xi32, #tpu.memory_space<hbm>> -> memref<1x8x128xi32, #tpu.memory_space<hbm>>
      %dma_start3A_259 = tpu.memref_squeeze %dma_start3A_258 : memref<1x8x128xi32, #tpu.memory_space<hbm>> -> memref<8x128xi32, #tpu.memory_space<hbm>>
      %dma_start3A_260 = arith.constant 0 : i32
      %dma_start3A_261 = arith.constant 0 : i32
      %dma_start3A_262 = tpu.memref_slice %arg3[%add3A, %dma_start3A_260, %dma_start3A_261] : memref<32x8x128xi32, #tpu.memory_space<hbm>> -> memref<1x8x128xi32, #tpu.memory_space<hbm>>
      %dma_start3A_263 = tpu.memref_squeeze %dma_start3A_262 : memref<1x8x128xi32, #tpu.memory_space<hbm>> -> memref<8x128xi32, #tpu.memory_space<hbm>>
      tpu.enqueue_dma source(%dma_start3A_263 : memref<8x128xi32, #tpu.memory_space<hbm>>) target(%arg9 : memref<8x128xi32, #tpu.memory_space<vmem>>) target_semaphore(%run_scoped3A : memref<!tpu.dma_semaphore, #tpu.memory_space<semaphore_mem>>)
      %dma_wait3A_264 = arith.constant 0 : i32
      %dma_wait3A_265 = arith.constant 0 : i32
      %dma_wait3A_266 = tpu.memref_slice %arg3[%add3A, %dma_wait3A_264, %dma_wait3A_265] : memref<32x8x128xi32, #tpu.memory_space<hbm>> -> memref<1x8x128xi32, #tpu.memory_space<hbm>>
      %dma_wait3A_267 = tpu.memref_squeeze %dma_wait3A_266 : memref<1x8x128xi32, #tpu.memory_space<hbm>> -> memref<8x128xi32, #tpu.memory_space<hbm>>
      %dma_wait3A_268 = arith.constant 0 : i32
      %dma_wait3A_269 = arith.constant 0 : i32
      %dma_wait3A_270 = tpu.memref_slice %arg3[%add3A, %dma_wait3A_268, %dma_wait3A_269] : memref<32x8x128xi32, #tpu.memory_space<hbm>> -> memref<1x8x128xi32, #tpu.memory_space<hbm>>
      %dma_wait3A_271 = tpu.memref_squeeze %dma_wait3A_270 : memref<1x8x128xi32, #tpu.memory_space<hbm>> -> memref<8x128xi32, #tpu.memory_space<hbm>>
      tpu.wait_dma2 semaphore(%run_scoped3A : memref<!tpu.dma_semaphore, #tpu.memory_space<semaphore_mem>>) src(%dma_wait3A_271 : memref<8x128xi32, #tpu.memory_space<hbm>>) dst(%arg9 : memref<8x128xi32, #tpu.memory_space<vmem>>)
      tpu.yield
    }) : () -> ()
    %broadcast_in_dim3A = arith.constant 0.000000e+00 : f32
    %broadcast_in_dim3A_23 = vector.broadcast %broadcast_in_dim3A : f32 to vector<16xf32>
    %scan3A = arith.constant 0 : i32
    %scan3A_24 = arith.constant 0 : i32
    %scan3A_25 = arith.constant 16 : i32
    %scan3A_26 = arith.addi %scan3A_24, %scan3A_25 : i32
    %scan3A_27 = arith.constant 1 : i32
    scf.for %scan3A_256 = %scan3A_24 to %scan3A_26 step %scan3A_27  : i32 {
      %swap3A = arith.index_cast %scan3A_256 : i32 to index
      %swap3A_257 = arith.constant 0 : index
      %swap3A_258 = tpu.vector_load %arg14[%swap3A, %swap3A_257] {strides = array<i32>} : memref<16x128xf32, #tpu.memory_space<vmem>>, vector<16xf32>,
      tpu.vector_store %arg14[%swap3A, %swap3A_257], %broadcast_in_dim3A_23 {strides = array<i32>} : memref<16x128xf32, #tpu.memory_space<vmem>>, vector<16xf32>,
      %swap3A_259 = arith.index_cast %scan3A_256 : i32 to index
      %swap3A_260 = arith.constant 16 : index
      %swap3A_261 = tpu.vector_load %arg14[%swap3A_259, %swap3A_260] {strides = array<i32>} : memref<16x128xf32, #tpu.memory_space<vmem>>, vector<16xf32>,
      tpu.vector_store %arg14[%swap3A_259, %swap3A_260], %broadcast_in_dim3A_23 {strides = array<i32>} : memref<16x128xf32, #tpu.memory_space<vmem>>, vector<16xf32>,
      %swap3A_262 = arith.index_cast %scan3A_256 : i32 to index
      %swap3A_263 = arith.constant 32 : index
      %swap3A_264 = tpu.vector_load %arg14[%swap3A_262, %swap3A_263] {strides = array<i32>} : memref<16x128xf32, #tpu.memory_space<vmem>>, vector<16xf32>,
      tpu.vector_store %arg14[%swap3A_262, %swap3A_263], %broadcast_in_dim3A_23 {strides = array<i32>} : memref<16x128xf32, #tpu.memory_space<vmem>>, vector<16xf32>,
      %swap3A_265 = arith.index_cast %scan3A_256 : i32 to index
      %swap3A_266 = arith.constant 48 : index
      %swap3A_267 = tpu.vector_load %arg14[%swap3A_265, %swap3A_266] {strides = array<i32>} : memref<16x128xf32, #tpu.memory_space<vmem>>, vector<16xf32>,
      tpu.vector_store %arg14[%swap3A_265, %swap3A_266], %broadcast_in_dim3A_23 {strides = array<i32>} : memref<16x128xf32, #tpu.memory_space<vmem>>, vector<16xf32>,
      %swap3A_268 = arith.index_cast %scan3A_256 : i32 to index
      %swap3A_269 = arith.constant 64 : index
      %swap3A_270 = tpu.vector_load %arg14[%swap3A_268, %swap3A_269] {strides = array<i32>} : memref<16x128xf32, #tpu.memory_space<vmem>>, vector<16xf32>,
      tpu.vector_store %arg14[%swap3A_268, %swap3A_269], %broadcast_in_dim3A_23 {strides = array<i32>} : memref<16x128xf32, #tpu.memory_space<vmem>>, vector<16xf32>,
      %swap3A_271 = arith.index_cast %scan3A_256 : i32 to index
      %swap3A_272 = arith.constant 80 : index
      %swap3A_273 = tpu.vector_load %arg14[%swap3A_271, %swap3A_272] {strides = array<i32>} : memref<16x128xf32, #tpu.memory_space<vmem>>, vector<16xf32>,
      tpu.vector_store %arg14[%swap3A_271, %swap3A_272], %broadcast_in_dim3A_23 {strides = array<i32>} : memref<16x128xf32, #tpu.memory_space<vmem>>, vector<16xf32>,
      %swap3A_274 = arith.index_cast %scan3A_256 : i32 to index
      %swap3A_275 = arith.constant 96 : index
      %swap3A_276 = tpu.vector_load %arg14[%swap3A_274, %swap3A_275] {strides = array<i32>} : memref<16x128xf32, #tpu.memory_space<vmem>>, vector<16xf32>,
      tpu.vector_store %arg14[%swap3A_274, %swap3A_275], %broadcast_in_dim3A_23 {strides = array<i32>} : memref<16x128xf32, #tpu.memory_space<vmem>>, vector<16xf32>,
      %swap3A_277 = arith.index_cast %scan3A_256 : i32 to index
      %swap3A_278 = arith.constant 112 : index
      %swap3A_279 = tpu.vector_load %arg14[%swap3A_277, %swap3A_278] {strides = array<i32>} : memref<16x128xf32, #tpu.memory_space<vmem>>, vector<16xf32>,
      tpu.vector_store %arg14[%swap3A_277, %swap3A_278], %broadcast_in_dim3A_23 {strides = array<i32>} : memref<16x128xf32, #tpu.memory_space<vmem>>, vector<16xf32>,
    }
    %scan3A_28 = arith.constant 16 : i32
    %add3A_29 = arith.constant 0 : i32
    %add3A_30 = arith.addi %mul3A_2, %add3A_29 : i32
    "tpu.region"() ({
      %run_scoped3A = tpu.sem_alloc : memref<!tpu.dma_semaphore, #tpu.memory_space<semaphore_mem>>
      %dma_start3A_256 = arith.constant 0 : i32
      %dma_start3A_257 = tpu.memref_slice %arg7[%add3A_30, %dma_start3A_256] : memref<2048x128xf32, #tpu.memory_space<vmem_shared>> -> memref<16x128xf32, #tpu.memory_space<vmem_shared>>
      %dma_start3A_258 = arith.constant 0 : i32
      %dma_start3A_259 = tpu.memref_slice %arg7[%add3A_30, %dma_start3A_258] : memref<2048x128xf32, #tpu.memory_space<vmem_shared>> -> memref<16x128xf32, #tpu.memory_space<vmem_shared>>
      tpu.enqueue_dma source(%arg14 : memref<16x128xf32, #tpu.memory_space<vmem>>) target(%dma_start3A_259 : memref<16x128xf32, #tpu.memory_space<vmem_shared>>) target_semaphore(%run_scoped3A : memref<!tpu.dma_semaphore, #tpu.memory_space<semaphore_mem>>)
      %dma_wait3A_260 = arith.constant 0 : i32
      %dma_wait3A_261 = tpu.memref_slice %arg7[%add3A_30, %dma_wait3A_260] : memref<2048x128xf32, #tpu.memory_space<vmem_shared>> -> memref<16x128xf32, #tpu.memory_space<vmem_shared>>
      %dma_wait3A_262 = arith.constant 0 : i32
      %dma_wait3A_263 = tpu.memref_slice %arg7[%add3A_30, %dma_wait3A_262] : memref<2048x128xf32, #tpu.memory_space<vmem_shared>> -> memref<16x128xf32, #tpu.memory_space<vmem_shared>>
      tpu.wait_dma2 semaphore(%run_scoped3A : memref<!tpu.dma_semaphore, #tpu.memory_space<semaphore_mem>>) src(%arg14 : memref<16x128xf32, #tpu.memory_space<vmem>>) dst(%dma_wait3A_263 : memref<16x128xf32, #tpu.memory_space<vmem_shared>>)
      tpu.yield
    }) : () -> ()
    %add3A_31 = arith.constant 16 : i32
    %add3A_32 = arith.addi %mul3A_2, %add3A_31 : i32
    "tpu.region"() ({
      %run_scoped3A = tpu.sem_alloc : memref<!tpu.dma_semaphore, #tpu.memory_space<semaphore_mem>>
      %dma_start3A_256 = arith.constant 0 : i32
      %dma_start3A_257 = tpu.memref_slice %arg7[%add3A_32, %dma_start3A_256] : memref<2048x128xf32, #tpu.memory_space<vmem_shared>> -> memref<16x128xf32, #tpu.memory_space<vmem_shared>>
      %dma_start3A_258 = arith.constant 0 : i32
      %dma_start3A_259 = tpu.memref_slice %arg7[%add3A_32, %dma_start3A_258] : memref<2048x128xf32, #tpu.memory_space<vmem_shared>> -> memref<16x128xf32, #tpu.memory_space<vmem_shared>>
      tpu.enqueue_dma source(%arg14 : memref<16x128xf32, #tpu.memory_space<vmem>>) target(%dma_start3A_259 : memref<16x128xf32, #tpu.memory_space<vmem_shared>>) target_semaphore(%run_scoped3A : memref<!tpu.dma_semaphore, #tpu.memory_space<semaphore_mem>>)
      %dma_wait3A_260 = arith.constant 0 : i32
      %dma_wait3A_261 = tpu.memref_slice %arg7[%add3A_32, %dma_wait3A_260] : memref<2048x128xf32, #tpu.memory_space<vmem_shared>> -> memref<16x128xf32, #tpu.memory_space<vmem_shared>>
      %dma_wait3A_262 = arith.constant 0 : i32
      %dma_wait3A_263 = tpu.memref_slice %arg7[%add3A_32, %dma_wait3A_262] : memref<2048x128xf32, #tpu.memory_space<vmem_shared>> -> memref<16x128xf32, #tpu.memory_space<vmem_shared>>
      tpu.wait_dma2 semaphore(%run_scoped3A : memref<!tpu.dma_semaphore, #tpu.memory_space<semaphore_mem>>) src(%arg14 : memref<16x128xf32, #tpu.memory_space<vmem>>) dst(%dma_wait3A_263 : memref<16x128xf32, #tpu.memory_space<vmem_shared>>)
      tpu.yield
    }) : () -> ()
    %add3A_33 = arith.constant 32 : i32
    %add3A_34 = arith.addi %mul3A_2, %add3A_33 : i32
    "tpu.region"() ({
      %run_scoped3A = tpu.sem_alloc : memref<!tpu.dma_semaphore, #tpu.memory_space<semaphore_mem>>
      %dma_start3A_256 = arith.constant 0 : i32
      %dma_start3A_257 = tpu.memref_slice %arg7[%add3A_34, %dma_start3A_256] : memref<2048x128xf32, #tpu.memory_space<vmem_shared>> -> memref<16x128xf32, #tpu.memory_space<vmem_shared>>
      %dma_start3A_258 = arith.constant 0 : i32
      %dma_start3A_259 = tpu.memref_slice %arg7[%add3A_34, %dma_start3A_258] : memref<2048x128xf32, #tpu.memory_space<vmem_shared>> -> memref<16x128xf32, #tpu.memory_space<vmem_shared>>
      tpu.enqueue_dma source(%arg14 : memref<16x128xf32, #tpu.memory_space<vmem>>) target(%dma_start3A_259 : memref<16x128xf32, #tpu.memory_space<vmem_shared>>) target_semaphore(%run_scoped3A : memref<!tpu.dma_semaphore, #tpu.memory_space<semaphore_mem>>)
      %dma_wait3A_260 = arith.constant 0 : i32
      %dma_wait3A_261 = tpu.memref_slice %arg7[%add3A_34, %dma_wait3A_260] : memref<2048x128xf32, #tpu.memory_space<vmem_shared>> -> memref<16x128xf32, #tpu.memory_space<vmem_shared>>
      %dma_wait3A_262 = arith.constant 0 : i32
      %dma_wait3A_263 = tpu.memref_slice %arg7[%add3A_34, %dma_wait3A_262] : memref<2048x128xf32, #tpu.memory_space<vmem_shared>> -> memref<16x128xf32, #tpu.memory_space<vmem_shared>>
      tpu.wait_dma2 semaphore(%run_scoped3A : memref<!tpu.dma_semaphore, #tpu.memory_space<semaphore_mem>>) src(%arg14 : memref<16x128xf32, #tpu.memory_space<vmem>>) dst(%dma_wait3A_263 : memref<16x128xf32, #tpu.memory_space<vmem_shared>>)
      tpu.yield
    }) : () -> ()
    %add3A_35 = arith.constant 48 : i32
    %add3A_36 = arith.addi %mul3A_2, %add3A_35 : i32
    "tpu.region"() ({
      %run_scoped3A = tpu.sem_alloc : memref<!tpu.dma_semaphore, #tpu.memory_space<semaphore_mem>>
      %dma_start3A_256 = arith.constant 0 : i32
      %dma_start3A_257 = tpu.memref_slice %arg7[%add3A_36, %dma_start3A_256] : memref<2048x128xf32, #tpu.memory_space<vmem_shared>> -> memref<16x128xf32, #tpu.memory_space<vmem_shared>>
      %dma_start3A_258 = arith.constant 0 : i32
      %dma_start3A_259 = tpu.memref_slice %arg7[%add3A_36, %dma_start3A_258] : memref<2048x128xf32, #tpu.memory_space<vmem_shared>> -> memref<16x128xf32, #tpu.memory_space<vmem_shared>>
      tpu.enqueue_dma source(%arg14 : memref<16x128xf32, #tpu.memory_space<vmem>>) target(%dma_start3A_259 : memref<16x128xf32, #tpu.memory_space<vmem_shared>>) target_semaphore(%run_scoped3A : memref<!tpu.dma_semaphore, #tpu.memory_space<semaphore_mem>>)
      %dma_wait3A_260 = arith.constant 0 : i32
      %dma_wait3A_261 = tpu.memref_slice %arg7[%add3A_36, %dma_wait3A_260] : memref<2048x128xf32, #tpu.memory_space<vmem_shared>> -> memref<16x128xf32, #tpu.memory_space<vmem_shared>>
      %dma_wait3A_262 = arith.constant 0 : i32
      %dma_wait3A_263 = tpu.memref_slice %arg7[%add3A_36, %dma_wait3A_262] : memref<2048x128xf32, #tpu.memory_space<vmem_shared>> -> memref<16x128xf32, #tpu.memory_space<vmem_shared>>
      tpu.wait_dma2 semaphore(%run_scoped3A : memref<!tpu.dma_semaphore, #tpu.memory_space<semaphore_mem>>) src(%arg14 : memref<16x128xf32, #tpu.memory_space<vmem>>) dst(%dma_wait3A_263 : memref<16x128xf32, #tpu.memory_space<vmem_shared>>)
      tpu.yield
    }) : () -> ()
    %add3A_37 = arith.constant 64 : i32
    %add3A_38 = arith.addi %mul3A_2, %add3A_37 : i32
    "tpu.region"() ({
      %run_scoped3A = tpu.sem_alloc : memref<!tpu.dma_semaphore, #tpu.memory_space<semaphore_mem>>
      %dma_start3A_256 = arith.constant 0 : i32
      %dma_start3A_257 = tpu.memref_slice %arg7[%add3A_38, %dma_start3A_256] : memref<2048x128xf32, #tpu.memory_space<vmem_shared>> -> memref<16x128xf32, #tpu.memory_space<vmem_shared>>
      %dma_start3A_258 = arith.constant 0 : i32
      %dma_start3A_259 = tpu.memref_slice %arg7[%add3A_38, %dma_start3A_258] : memref<2048x128xf32, #tpu.memory_space<vmem_shared>> -> memref<16x128xf32, #tpu.memory_space<vmem_shared>>
      tpu.enqueue_dma source(%arg14 : memref<16x128xf32, #tpu.memory_space<vmem>>) target(%dma_start3A_259 : memref<16x128xf32, #tpu.memory_space<vmem_shared>>) target_semaphore(%run_scoped3A : memref<!tpu.dma_semaphore, #tpu.memory_space<semaphore_mem>>)
      %dma_wait3A_260 = arith.constant 0 : i32
      %dma_wait3A_261 = tpu.memref_slice %arg7[%add3A_38, %dma_wait3A_260] : memref<2048x128xf32, #tpu.memory_space<vmem_shared>> -> memref<16x128xf32, #tpu.memory_space<vmem_shared>>
      %dma_wait3A_262 = arith.constant 0 : i32
      %dma_wait3A_263 = tpu.memref_slice %arg7[%add3A_38, %dma_wait3A_262] : memref<2048x128xf32, #tpu.memory_space<vmem_shared>> -> memref<16x128xf32, #tpu.memory_space<vmem_shared>>
      tpu.wait_dma2 semaphore(%run_scoped3A : memref<!tpu.dma_semaphore, #tpu.memory_space<semaphore_mem>>) src(%arg14 : memref<16x128xf32, #tpu.memory_space<vmem>>) dst(%dma_wait3A_263 : memref<16x128xf32, #tpu.memory_space<vmem_shared>>)
      tpu.yield
    }) : () -> ()
    %add3A_39 = arith.constant 80 : i32
    %add3A_40 = arith.addi %mul3A_2, %add3A_39 : i32
    "tpu.region"() ({
      %run_scoped3A = tpu.sem_alloc : memref<!tpu.dma_semaphore, #tpu.memory_space<semaphore_mem>>
      %dma_start3A_256 = arith.constant 0 : i32
      %dma_start3A_257 = tpu.memref_slice %arg7[%add3A_40, %dma_start3A_256] : memref<2048x128xf32, #tpu.memory_space<vmem_shared>> -> memref<16x128xf32, #tpu.memory_space<vmem_shared>>
      %dma_start3A_258 = arith.constant 0 : i32
      %dma_start3A_259 = tpu.memref_slice %arg7[%add3A_40, %dma_start3A_258] : memref<2048x128xf32, #tpu.memory_space<vmem_shared>> -> memref<16x128xf32, #tpu.memory_space<vmem_shared>>
      tpu.enqueue_dma source(%arg14 : memref<16x128xf32, #tpu.memory_space<vmem>>) target(%dma_start3A_259 : memref<16x128xf32, #tpu.memory_space<vmem_shared>>) target_semaphore(%run_scoped3A : memref<!tpu.dma_semaphore, #tpu.memory_space<semaphore_mem>>)
      %dma_wait3A_260 = arith.constant 0 : i32
      %dma_wait3A_261 = tpu.memref_slice %arg7[%add3A_40, %dma_wait3A_260] : memref<2048x128xf32, #tpu.memory_space<vmem_shared>> -> memref<16x128xf32, #tpu.memory_space<vmem_shared>>
      %dma_wait3A_262 = arith.constant 0 : i32
      %dma_wait3A_263 = tpu.memref_slice %arg7[%add3A_40, %dma_wait3A_262] : memref<2048x128xf32, #tpu.memory_space<vmem_shared>> -> memref<16x128xf32, #tpu.memory_space<vmem_shared>>
      tpu.wait_dma2 semaphore(%run_scoped3A : memref<!tpu.dma_semaphore, #tpu.memory_space<semaphore_mem>>) src(%arg14 : memref<16x128xf32, #tpu.memory_space<vmem>>) dst(%dma_wait3A_263 : memref<16x128xf32, #tpu.memory_space<vmem_shared>>)
      tpu.yield
    }) : () -> ()
    %add3A_41 = arith.constant 96 : i32
    %add3A_42 = arith.addi %mul3A_2, %add3A_41 : i32
    "tpu.region"() ({
      %run_scoped3A = tpu.sem_alloc : memref<!tpu.dma_semaphore, #tpu.memory_space<semaphore_mem>>
      %dma_start3A_256 = arith.constant 0 : i32
      %dma_start3A_257 = tpu.memref_slice %arg7[%add3A_42, %dma_start3A_256] : memref<2048x128xf32, #tpu.memory_space<vmem_shared>> -> memref<16x128xf32, #tpu.memory_space<vmem_shared>>
      %dma_start3A_258 = arith.constant 0 : i32
      %dma_start3A_259 = tpu.memref_slice %arg7[%add3A_42, %dma_start3A_258] : memref<2048x128xf32, #tpu.memory_space<vmem_shared>> -> memref<16x128xf32, #tpu.memory_space<vmem_shared>>
      tpu.enqueue_dma source(%arg14 : memref<16x128xf32, #tpu.memory_space<vmem>>) target(%dma_start3A_259 : memref<16x128xf32, #tpu.memory_space<vmem_shared>>) target_semaphore(%run_scoped3A : memref<!tpu.dma_semaphore, #tpu.memory_space<semaphore_mem>>)
      %dma_wait3A_260 = arith.constant 0 : i32
      %dma_wait3A_261 = tpu.memref_slice %arg7[%add3A_42, %dma_wait3A_260] : memref<2048x128xf32, #tpu.memory_space<vmem_shared>> -> memref<16x128xf32, #tpu.memory_space<vmem_shared>>
      %dma_wait3A_262 = arith.constant 0 : i32
      %dma_wait3A_263 = tpu.memref_slice %arg7[%add3A_42, %dma_wait3A_262] : memref<2048x128xf32, #tpu.memory_space<vmem_shared>> -> memref<16x128xf32, #tpu.memory_space<vmem_shared>>
      tpu.wait_dma2 semaphore(%run_scoped3A : memref<!tpu.dma_semaphore, #tpu.memory_space<semaphore_mem>>) src(%arg14 : memref<16x128xf32, #tpu.memory_space<vmem>>) dst(%dma_wait3A_263 : memref<16x128xf32, #tpu.memory_space<vmem_shared>>)
      tpu.yield
    }) : () -> ()
    %add3A_43 = arith.constant 112 : i32
    %add3A_44 = arith.addi %mul3A_2, %add3A_43 : i32
    "tpu.region"() ({
      %run_scoped3A = tpu.sem_alloc : memref<!tpu.dma_semaphore, #tpu.memory_space<semaphore_mem>>
      %dma_start3A_256 = arith.constant 0 : i32
      %dma_start3A_257 = tpu.memref_slice %arg7[%add3A_44, %dma_start3A_256] : memref<2048x128xf32, #tpu.memory_space<vmem_shared>> -> memref<16x128xf32, #tpu.memory_space<vmem_shared>>
      %dma_start3A_258 = arith.constant 0 : i32
      %dma_start3A_259 = tpu.memref_slice %arg7[%add3A_44, %dma_start3A_258] : memref<2048x128xf32, #tpu.memory_space<vmem_shared>> -> memref<16x128xf32, #tpu.memory_space<vmem_shared>>
      tpu.enqueue_dma source(%arg14 : memref<16x128xf32, #tpu.memory_space<vmem>>) target(%dma_start3A_259 : memref<16x128xf32, #tpu.memory_space<vmem_shared>>) target_semaphore(%run_scoped3A : memref<!tpu.dma_semaphore, #tpu.memory_space<semaphore_mem>>)
      %dma_wait3A_260 = arith.constant 0 : i32
      %dma_wait3A_261 = tpu.memref_slice %arg7[%add3A_44, %dma_wait3A_260] : memref<2048x128xf32, #tpu.memory_space<vmem_shared>> -> memref<16x128xf32, #tpu.memory_space<vmem_shared>>
      %dma_wait3A_262 = arith.constant 0 : i32
      %dma_wait3A_263 = tpu.memref_slice %arg7[%add3A_44, %dma_wait3A_262] : memref<2048x128xf32, #tpu.memory_space<vmem_shared>> -> memref<16x128xf32, #tpu.memory_space<vmem_shared>>
      tpu.wait_dma2 semaphore(%run_scoped3A : memref<!tpu.dma_semaphore, #tpu.memory_space<semaphore_mem>>) src(%arg14 : memref<16x128xf32, #tpu.memory_space<vmem>>) dst(%dma_wait3A_263 : memref<16x128xf32, #tpu.memory_space<vmem_shared>>)
      tpu.yield
    }) : () -> ()
    %broadcast_in_dim3A_45 = arith.constant 1.000000e+00 : f32
    %broadcast_in_dim3A_46 = vector.broadcast %broadcast_in_dim3A_45 : f32 to vector<16xf32>
    %scan3A_47 = arith.constant 0 : i32
    %scan3A_48 = arith.constant 0 : i32
    %scan3A_49 = arith.constant 8 : i32
    %scan3A_50 = arith.addi %scan3A_48, %scan3A_49 : i32
    %scan3A_51 = arith.constant 1 : i32
    scf.for %scan3A_256 = %scan3A_48 to %scan3A_50 step %scan3A_51  : i32 {
      %get3A = arith.index_cast %scan3A_256 : i32 to index
      %get3A_257 = arith.constant 0 : index
      %get3A_258 = tpu.vector_load %arg9[%get3A, %get3A_257] {strides = array<i32>} : memref<8x128xi32, #tpu.memory_space<vmem>>, vector<16xi32>,
      %shift_right_logical3A = arith.constant 7 : i32
      %shift_right_logical3A_259 = vector.broadcast %shift_right_logical3A : i32 to vector<16xi32>
      %shift_right_logical3A_260 = arith.shrui %get3A_258, %shift_right_logical3A_259 : vector<16xi32>
      %and3A = arith.constant 127 : i32
      %and3A_261 = vector.broadcast %and3A : i32 to vector<16xi32>
      %and3A_262 = arith.andi %get3A_258, %and3A_261 : vector<16xi32>
      tpu.vector_store_idx %arg14[%shift_right_logical3A_260, %and3A_262], %broadcast_in_dim3A_46 {add = true} : memref<16x128xf32, #tpu.memory_space<vmem>>[vector<16xi32>, vector<16xi32>], vector<16xf32>,
      %get3A_263 = arith.index_cast %scan3A_256 : i32 to index
      %get3A_264 = arith.constant 16 : index
      %get3A_265 = tpu.vector_load %arg9[%get3A_263, %get3A_264] {strides = array<i32>} : memref<8x128xi32, #tpu.memory_space<vmem>>, vector<16xi32>,
      %shift_right_logical3A_266 = arith.constant 7 : i32
      %shift_right_logical3A_267 = vector.broadcast %shift_right_logical3A_266 : i32 to vector<16xi32>
      %shift_right_logical3A_268 = arith.shrui %get3A_265, %shift_right_logical3A_267 : vector<16xi32>
      %and3A_269 = arith.constant 127 : i32
      %and3A_270 = vector.broadcast %and3A_269 : i32 to vector<16xi32>
      %and3A_271 = arith.andi %get3A_265, %and3A_270 : vector<16xi32>
      tpu.vector_store_idx %arg14[%shift_right_logical3A_268, %and3A_271], %broadcast_in_dim3A_46 {add = true} : memref<16x128xf32, #tpu.memory_space<vmem>>[vector<16xi32>, vector<16xi32>], vector<16xf32>,
      %get3A_272 = arith.index_cast %scan3A_256 : i32 to index
      %get3A_273 = arith.constant 32 : index
      %get3A_274 = tpu.vector_load %arg9[%get3A_272, %get3A_273] {strides = array<i32>} : memref<8x128xi32, #tpu.memory_space<vmem>>, vector<16xi32>,
      %shift_right_logical3A_275 = arith.constant 7 : i32
      %shift_right_logical3A_276 = vector.broadcast %shift_right_logical3A_275 : i32 to vector<16xi32>
      %shift_right_logical3A_277 = arith.shrui %get3A_274, %shift_right_logical3A_276 : vector<16xi32>
      %and3A_278 = arith.constant 127 : i32
      %and3A_279 = vector.broadcast %and3A_278 : i32 to vector<16xi32>
      %and3A_280 = arith.andi %get3A_274, %and3A_279 : vector<16xi32>
      tpu.vector_store_idx %arg14[%shift_right_logical3A_277, %and3A_280], %broadcast_in_dim3A_46 {add = true} : memref<16x128xf32, #tpu.memory_space<vmem>>[vector<16xi32>, vector<16xi32>], vector<16xf32>,
      %get3A_281 = arith.index_cast %scan3A_256 : i32 to index
      %get3A_282 = arith.constant 48 : index
      %get3A_283 = tpu.vector_load %arg9[%get3A_281, %get3A_282] {strides = array<i32>} : memref<8x128xi32, #tpu.memory_space<vmem>>, vector<16xi32>,
      %shift_right_logical3A_284 = arith.constant 7 : i32
      %shift_right_logical3A_285 = vector.broadcast %shift_right_logical3A_284 : i32 to vector<16xi32>
      %shift_right_logical3A_286 = arith.shrui %get3A_283, %shift_right_logical3A_285 : vector<16xi32>
      %and3A_287 = arith.constant 127 : i32
      %and3A_288 = vector.broadcast %and3A_287 : i32 to vector<16xi32>
      %and3A_289 = arith.andi %get3A_283, %and3A_288 : vector<16xi32>
      tpu.vector_store_idx %arg14[%shift_right_logical3A_286, %and3A_289], %broadcast_in_dim3A_46 {add = true} : memref<16x128xf32, #tpu.memory_space<vmem>>[vector<16xi32>, vector<16xi32>], vector<16xf32>,
      %get3A_290 = arith.index_cast %scan3A_256 : i32 to index
      %get3A_291 = arith.constant 64 : index
      %get3A_292 = tpu.vector_load %arg9[%get3A_290, %get3A_291] {strides = array<i32>} : memref<8x128xi32, #tpu.memory_space<vmem>>, vector<16xi32>,
      %shift_right_logical3A_293 = arith.constant 7 : i32
      %shift_right_logical3A_294 = vector.broadcast %shift_right_logical3A_293 : i32 to vector<16xi32>
      %shift_right_logical3A_295 = arith.shrui %get3A_292, %shift_right_logical3A_294 : vector<16xi32>
      %and3A_296 = arith.constant 127 : i32
      %and3A_297 = vector.broadcast %and3A_296 : i32 to vector<16xi32>
      %and3A_298 = arith.andi %get3A_292, %and3A_297 : vector<16xi32>
      tpu.vector_store_idx %arg14[%shift_right_logical3A_295, %and3A_298], %broadcast_in_dim3A_46 {add = true} : memref<16x128xf32, #tpu.memory_space<vmem>>[vector<16xi32>, vector<16xi32>], vector<16xf32>,
      %get3A_299 = arith.index_cast %scan3A_256 : i32 to index
      %get3A_300 = arith.constant 80 : index
      %get3A_301 = tpu.vector_load %arg9[%get3A_299, %get3A_300] {strides = array<i32>} : memref<8x128xi32, #tpu.memory_space<vmem>>, vector<16xi32>,
      %shift_right_logical3A_302 = arith.constant 7 : i32
      %shift_right_logical3A_303 = vector.broadcast %shift_right_logical3A_302 : i32 to vector<16xi32>
      %shift_right_logical3A_304 = arith.shrui %get3A_301, %shift_right_logical3A_303 : vector<16xi32>
      %and3A_305 = arith.constant 127 : i32
      %and3A_306 = vector.broadcast %and3A_305 : i32 to vector<16xi32>
      %and3A_307 = arith.andi %get3A_301, %and3A_306 : vector<16xi32>
      tpu.vector_store_idx %arg14[%shift_right_logical3A_304, %and3A_307], %broadcast_in_dim3A_46 {add = true} : memref<16x128xf32, #tpu.memory_space<vmem>>[vector<16xi32>, vector<16xi32>], vector<16xf32>,
      %get3A_308 = arith.index_cast %scan3A_256 : i32 to index
      %get3A_309 = arith.constant 96 : index
      %get3A_310 = tpu.vector_load %arg9[%get3A_308, %get3A_309] {strides = array<i32>} : memref<8x128xi32, #tpu.memory_space<vmem>>, vector<16xi32>,
      %shift_right_logical3A_311 = arith.constant 7 : i32
      %shift_right_logical3A_312 = vector.broadcast %shift_right_logical3A_311 : i32 to vector<16xi32>
      %shift_right_logical3A_313 = arith.shrui %get3A_310, %shift_right_logical3A_312 : vector<16xi32>
      %and3A_314 = arith.constant 127 : i32
      %and3A_315 = vector.broadcast %and3A_314 : i32 to vector<16xi32>
      %and3A_316 = arith.andi %get3A_310, %and3A_315 : vector<16xi32>
      tpu.vector_store_idx %arg14[%shift_right_logical3A_313, %and3A_316], %broadcast_in_dim3A_46 {add = true} : memref<16x128xf32, #tpu.memory_space<vmem>>[vector<16xi32>, vector<16xi32>], vector<16xf32>,
      %get3A_317 = arith.index_cast %scan3A_256 : i32 to index
      %get3A_318 = arith.constant 112 : index
      %get3A_319 = tpu.vector_load %arg9[%get3A_317, %get3A_318] {strides = array<i32>} : memref<8x128xi32, #tpu.memory_space<vmem>>, vector<16xi32>,
      %shift_right_logical3A_320 = arith.constant 7 : i32
      %shift_right_logical3A_321 = vector.broadcast %shift_right_logical3A_320 : i32 to vector<16xi32>
      %shift_right_logical3A_322 = arith.shrui %get3A_319, %shift_right_logical3A_321 : vector<16xi32>
      %and3A_323 = arith.constant 127 : i32
      %and3A_324 = vector.broadcast %and3A_323 : i32 to vector<16xi32>
      %and3A_325 = arith.andi %get3A_319, %and3A_324 : vector<16xi32>
      tpu.vector_store_idx %arg14[%shift_right_logical3A_322, %and3A_325], %broadcast_in_dim3A_46 {add = true} : memref<16x128xf32, #tpu.memory_space<vmem>>[vector<16xi32>, vector<16xi32>], vector<16xf32>,
    }
    %scan3A_52 = arith.constant 8 : i32
    "tpu.region"() ({
      %run_scoped3A = tpu.sem_alloc : memref<!tpu.dma_semaphore, #tpu.memory_space<semaphore_mem>>
      %dma_start3A_256 = arith.constant 0 : i32
      %dma_start3A_257 = arith.constant 0 : i32
      %dma_start3A_258 = tpu.memref_slice %arg6[%add3A, %dma_start3A_256, %dma_start3A_257] : memref<32x16x128xf32, #tpu.memory_space<hbm>> -> memref<1x16x128xf32, #tpu.memory_space<hbm>>
      %dma_start3A_259 = tpu.memref_squeeze %dma_start3A_258 : memref<1x16x128xf32, #tpu.memory_space<hbm>> -> memref<16x128xf32, #tpu.memory_space<hbm>>
      %dma_start3A_260 = arith.constant 0 : i32
      %dma_start3A_261 = arith.constant 0 : i32
      %dma_start3A_262 = tpu.memref_slice %arg6[%add3A, %dma_start3A_260, %dma_start3A_261] : memref<32x16x128xf32, #tpu.memory_space<hbm>> -> memref<1x16x128xf32, #tpu.memory_space<hbm>>
      %dma_start3A_263 = tpu.memref_squeeze %dma_start3A_262 : memref<1x16x128xf32, #tpu.memory_space<hbm>> -> memref<16x128xf32, #tpu.memory_space<hbm>>
      tpu.enqueue_dma source(%arg14 : memref<16x128xf32, #tpu.memory_space<vmem>>) target(%dma_start3A_263 : memref<16x128xf32, #tpu.memory_space<hbm>>) target_semaphore(%run_scoped3A : memref<!tpu.dma_semaphore, #tpu.memory_space<semaphore_mem>>)
      %dma_wait3A_264 = arith.constant 0 : i32
      %dma_wait3A_265 = arith.constant 0 : i32
      %dma_wait3A_266 = tpu.memref_slice %arg6[%add3A, %dma_wait3A_264, %dma_wait3A_265] : memref<32x16x128xf32, #tpu.memory_space<hbm>> -> memref<1x16x128xf32, #tpu.memory_space<hbm>>
      %dma_wait3A_267 = tpu.memref_squeeze %dma_wait3A_266 : memref<1x16x128xf32, #tpu.memory_space<hbm>> -> memref<16x128xf32, #tpu.memory_space<hbm>>
      %dma_wait3A_268 = arith.constant 0 : i32
      %dma_wait3A_269 = arith.constant 0 : i32
      %dma_wait3A_270 = tpu.memref_slice %arg6[%add3A, %dma_wait3A_268, %dma_wait3A_269] : memref<32x16x128xf32, #tpu.memory_space<hbm>> -> memref<1x16x128xf32, #tpu.memory_space<hbm>>
      %dma_wait3A_271 = tpu.memref_squeeze %dma_wait3A_270 : memref<1x16x128xf32, #tpu.memory_space<hbm>> -> memref<16x128xf32, #tpu.memory_space<hbm>>
      tpu.wait_dma2 semaphore(%run_scoped3A : memref<!tpu.dma_semaphore, #tpu.memory_space<semaphore_mem>>) src(%arg14 : memref<16x128xf32, #tpu.memory_space<vmem>>) dst(%dma_wait3A_271 : memref<16x128xf32, #tpu.memory_space<hbm>>)
      tpu.yield
    }) : () -> ()
    %barrier3A = arith.constant 0 : index
    tpu.barrier barrier_id(%barrier3A)
    %dma_start3A_53 = arith.constant 3 : i32
    %dma_start3A_54 = arith.constant 0 : i32
    %dma_start3A_55 = tpu.memref_slice %arg8[%dma_start3A_53, %dma_start3A_54] : memref<8x128xi32, #tpu.memory_space<vmem>> -> memref<1x128xi32, #tpu.memory_space<vmem>>
    %dma_start3A_56 = tpu.memref_squeeze %dma_start3A_55 : memref<1x128xi32, #tpu.memory_space<vmem>> -> memref<128xi32, #tpu.memory_space<vmem>>
    %dma_start3A_57 = arith.constant 0 : i32
    %dma_start3A_58 = arith.constant 0 : i32
    %dma_start3A_59 = tpu.memref_slice %arg4[%dma_start3A_57, %dma_start3A_58] : memref<100000x128xf32, #tpu.memory_space<hbm>> -> memref<100000x128xf32, #tpu.memory_space<hbm>>
    tpu.enqueue_indirect_dma source(%dma_start3A_59 : memref<100000x128xf32, #tpu.memory_space<hbm>>) target(%arg13 : memref<128x128xf32, #tpu.memory_space<vmem>>) offsets(%dma_start3A_56 : memref<128xi32, #tpu.memory_space<vmem>>) semaphore(%arg18 : memref<!tpu.dma_semaphore, #tpu.memory_space<semaphore_mem>>)
    %dma_wait3A = arith.constant 0 : i32
    %dma_wait3A_60 = arith.constant 0 : i32
    %dma_wait3A_61 = tpu.memref_slice %arg8[%dma_wait3A, %dma_wait3A_60] : memref<8x128xi32, #tpu.memory_space<vmem>> -> memref<1x128xi32, #tpu.memory_space<vmem>>
    %dma_wait3A_62 = tpu.memref_squeeze %dma_wait3A_61 : memref<1x128xi32, #tpu.memory_space<vmem>> -> memref<128xi32, #tpu.memory_space<vmem>>
    %dma_wait3A_63 = arith.constant 0 : i32
    %dma_wait3A_64 = arith.constant 0 : i32
    %dma_wait3A_65 = tpu.memref_slice %arg4[%dma_wait3A_63, %dma_wait3A_64] : memref<100000x128xf32, #tpu.memory_space<hbm>> -> memref<100000x128xf32, #tpu.memory_space<hbm>>
    tpu.wait_indirect_dma semaphore(%arg15 : memref<!tpu.dma_semaphore, #tpu.memory_space<semaphore_mem>>) src(%dma_wait3A_65 : memref<100000x128xf32, #tpu.memory_space<hbm>>) dst(%arg10 : memref<128x128xf32, #tpu.memory_space<vmem>>)
    %dma_start3A_66 = arith.constant 0 : i32
    %dma_start3A_67 = arith.constant 0 : i32
    %dma_start3A_68 = tpu.memref_slice %arg9[%dma_start3A_66, %dma_start3A_67] : memref<8x128xi32, #tpu.memory_space<vmem>> -> memref<1x128xi32, #tpu.memory_space<vmem>>
    %dma_start3A_69 = tpu.memref_squeeze %dma_start3A_68 : memref<1x128xi32, #tpu.memory_space<vmem>> -> memref<128xi32, #tpu.memory_space<vmem>>
    %dma_start3A_70 = arith.constant 0 : i32
    %dma_start3A_71 = arith.constant 0 : i32
    %dma_start3A_72 = tpu.memref_slice %arg7[%dma_start3A_70, %dma_start3A_71] : memref<2048x128xf32, #tpu.memory_space<vmem_shared>> -> memref<2048x128xf32, #tpu.memory_space<vmem_shared>>
    tpu.enqueue_indirect_dma source(%arg10 : memref<128x128xf32, #tpu.memory_space<vmem>>) target(%dma_start3A_72 : memref<2048x128xf32, #tpu.memory_space<vmem_shared>>) offsets(%dma_start3A_69 : memref<128xi32, #tpu.memory_space<vmem>>) semaphore(%arg19 : memref<!tpu.dma_semaphore, #tpu.memory_space<semaphore_mem>>) {add = true}
    %dma_wait3A_73 = arith.constant 0 : i32
    %dma_wait3A_74 = arith.constant 0 : i32
    %dma_wait3A_75 = tpu.memref_slice %arg9[%dma_wait3A_73, %dma_wait3A_74] : memref<8x128xi32, #tpu.memory_space<vmem>> -> memref<1x128xi32, #tpu.memory_space<vmem>>
    %dma_wait3A_76 = tpu.memref_squeeze %dma_wait3A_75 : memref<1x128xi32, #tpu.memory_space<vmem>> -> memref<128xi32, #tpu.memory_space<vmem>>
    %dma_wait3A_77 = arith.constant 0 : i32
    %dma_wait3A_78 = arith.constant 0 : i32
    %dma_wait3A_79 = tpu.memref_slice %arg7[%dma_wait3A_77, %dma_wait3A_78] : memref<2048x128xf32, #tpu.memory_space<vmem_shared>> -> memref<2048x128xf32, #tpu.memory_space<vmem_shared>>
    tpu.wait_indirect_dma semaphore(%arg19 : memref<!tpu.dma_semaphore, #tpu.memory_space<semaphore_mem>>) src(%arg10 : memref<128x128xf32, #tpu.memory_space<vmem>>) dst(%dma_wait3A_79 : memref<2048x128xf32, #tpu.memory_space<vmem_shared>>)
    %dma_start3A_80 = arith.constant 4 : i32
    %dma_start3A_81 = arith.constant 0 : i32
    %dma_start3A_82 = tpu.memref_slice %arg8[%dma_start3A_80, %dma_start3A_81] : memref<8x128xi32, #tpu.memory_space<vmem>> -> memref<1x128xi32, #tpu.memory_space<vmem>>
    %dma_start3A_83 = tpu.memref_squeeze %dma_start3A_82 : memref<1x128xi32, #tpu.memory_space<vmem>> -> memref<128xi32, #tpu.memory_space<vmem>>
    %dma_start3A_84 = arith.constant 0 : i32
    %dma_start3A_85 = arith.constant 0 : i32
    %dma_start3A_86 = tpu.memref_slice %arg4[%dma_start3A_84, %dma_start3A_85] : memref<100000x128xf32, #tpu.memory_space<hbm>> -> memref<100000x128xf32, #tpu.memory_space<hbm>>
    tpu.enqueue_indirect_dma source(%dma_start3A_86 : memref<100000x128xf32, #tpu.memory_space<hbm>>) target(%arg10 : memref<128x128xf32, #tpu.memory_space<vmem>>) offsets(%dma_start3A_83 : memref<128xi32, #tpu.memory_space<vmem>>) semaphore(%arg15 : memref<!tpu.dma_semaphore, #tpu.memory_space<semaphore_mem>>)
    %dma_wait3A_87 = arith.constant 1 : i32
    %dma_wait3A_88 = arith.constant 0 : i32
    %dma_wait3A_89 = tpu.memref_slice %arg8[%dma_wait3A_87, %dma_wait3A_88] : memref<8x128xi32, #tpu.memory_space<vmem>> -> memref<1x128xi32, #tpu.memory_space<vmem>>
    %dma_wait3A_90 = tpu.memref_squeeze %dma_wait3A_89 : memref<1x128xi32, #tpu.memory_space<vmem>> -> memref<128xi32, #tpu.memory_space<vmem>>
    %dma_wait3A_91 = arith.constant 0 : i32
    %dma_wait3A_92 = arith.constant 0 : i32
    %dma_wait3A_93 = tpu.memref_slice %arg4[%dma_wait3A_91, %dma_wait3A_92] : memref<100000x128xf32, #tpu.memory_space<hbm>> -> memref<100000x128xf32, #tpu.memory_space<hbm>>
    tpu.wait_indirect_dma semaphore(%arg16 : memref<!tpu.dma_semaphore, #tpu.memory_space<semaphore_mem>>) src(%dma_wait3A_93 : memref<100000x128xf32, #tpu.memory_space<hbm>>) dst(%arg11 : memref<128x128xf32, #tpu.memory_space<vmem>>)
    %dma_start3A_94 = arith.constant 1 : i32
    %dma_start3A_95 = arith.constant 0 : i32
    %dma_start3A_96 = tpu.memref_slice %arg9[%dma_start3A_94, %dma_start3A_95] : memref<8x128xi32, #tpu.memory_space<vmem>> -> memref<1x128xi32, #tpu.memory_space<vmem>>
    %dma_start3A_97 = tpu.memref_squeeze %dma_start3A_96 : memref<1x128xi32, #tpu.memory_space<vmem>> -> memref<128xi32, #tpu.memory_space<vmem>>
    %dma_start3A_98 = arith.constant 0 : i32
    %dma_start3A_99 = arith.constant 0 : i32
    %dma_start3A_100 = tpu.memref_slice %arg7[%dma_start3A_98, %dma_start3A_99] : memref<2048x128xf32, #tpu.memory_space<vmem_shared>> -> memref<2048x128xf32, #tpu.memory_space<vmem_shared>>
    tpu.enqueue_indirect_dma source(%arg11 : memref<128x128xf32, #tpu.memory_space<vmem>>) target(%dma_start3A_100 : memref<2048x128xf32, #tpu.memory_space<vmem_shared>>) offsets(%dma_start3A_97 : memref<128xi32, #tpu.memory_space<vmem>>) semaphore(%arg20 : memref<!tpu.dma_semaphore, #tpu.memory_space<semaphore_mem>>) {add = true}
    %dma_wait3A_101 = arith.constant 1 : i32
    %dma_wait3A_102 = arith.constant 0 : i32
    %dma_wait3A_103 = tpu.memref_slice %arg9[%dma_wait3A_101, %dma_wait3A_102] : memref<8x128xi32, #tpu.memory_space<vmem>> -> memref<1x128xi32, #tpu.memory_space<vmem>>
    %dma_wait3A_104 = tpu.memref_squeeze %dma_wait3A_103 : memref<1x128xi32, #tpu.memory_space<vmem>> -> memref<128xi32, #tpu.memory_space<vmem>>
    %dma_wait3A_105 = arith.constant 0 : i32
    %dma_wait3A_106 = arith.constant 0 : i32
    %dma_wait3A_107 = tpu.memref_slice %arg7[%dma_wait3A_105, %dma_wait3A_106] : memref<2048x128xf32, #tpu.memory_space<vmem_shared>> -> memref<2048x128xf32, #tpu.memory_space<vmem_shared>>
    tpu.wait_indirect_dma semaphore(%arg20 : memref<!tpu.dma_semaphore, #tpu.memory_space<semaphore_mem>>) src(%arg11 : memref<128x128xf32, #tpu.memory_space<vmem>>) dst(%dma_wait3A_107 : memref<2048x128xf32, #tpu.memory_space<vmem_shared>>)
    %dma_start3A_108 = arith.constant 5 : i32
    %dma_start3A_109 = arith.constant 0 : i32
    %dma_start3A_110 = tpu.memref_slice %arg8[%dma_start3A_108, %dma_start3A_109] : memref<8x128xi32, #tpu.memory_space<vmem>> -> memref<1x128xi32, #tpu.memory_space<vmem>>
    %dma_start3A_111 = tpu.memref_squeeze %dma_start3A_110 : memref<1x128xi32, #tpu.memory_space<vmem>> -> memref<128xi32, #tpu.memory_space<vmem>>
    %dma_start3A_112 = arith.constant 0 : i32
    %dma_start3A_113 = arith.constant 0 : i32
    %dma_start3A_114 = tpu.memref_slice %arg4[%dma_start3A_112, %dma_start3A_113] : memref<100000x128xf32, #tpu.memory_space<hbm>> -> memref<100000x128xf32, #tpu.memory_space<hbm>>
    tpu.enqueue_indirect_dma source(%dma_start3A_114 : memref<100000x128xf32, #tpu.memory_space<hbm>>) target(%arg11 : memref<128x128xf32, #tpu.memory_space<vmem>>) offsets(%dma_start3A_111 : memref<128xi32, #tpu.memory_space<vmem>>) semaphore(%arg16 : memref<!tpu.dma_semaphore, #tpu.memory_space<semaphore_mem>>)
    %dma_wait3A_115 = arith.constant 2 : i32
    %dma_wait3A_116 = arith.constant 0 : i32
    %dma_wait3A_117 = tpu.memref_slice %arg8[%dma_wait3A_115, %dma_wait3A_116] : memref<8x128xi32, #tpu.memory_space<vmem>> -> memref<1x128xi32, #tpu.memory_space<vmem>>
    %dma_wait3A_118 = tpu.memref_squeeze %dma_wait3A_117 : memref<1x128xi32, #tpu.memory_space<vmem>> -> memref<128xi32, #tpu.memory_space<vmem>>
    %dma_wait3A_119 = arith.constant 0 : i32
    %dma_wait3A_120 = arith.constant 0 : i32
    %dma_wait3A_121 = tpu.memref_slice %arg4[%dma_wait3A_119, %dma_wait3A_120] : memref<100000x128xf32, #tpu.memory_space<hbm>> -> memref<100000x128xf32, #tpu.memory_space<hbm>>
    tpu.wait_indirect_dma semaphore(%arg17 : memref<!tpu.dma_semaphore, #tpu.memory_space<semaphore_mem>>) src(%dma_wait3A_121 : memref<100000x128xf32, #tpu.memory_space<hbm>>) dst(%arg12 : memref<128x128xf32, #tpu.memory_space<vmem>>)
    %dma_start3A_122 = arith.constant 2 : i32
    %dma_start3A_123 = arith.constant 0 : i32
    %dma_start3A_124 = tpu.memref_slice %arg9[%dma_start3A_122, %dma_start3A_123] : memref<8x128xi32, #tpu.memory_space<vmem>> -> memref<1x128xi32, #tpu.memory_space<vmem>>
    %dma_start3A_125 = tpu.memref_squeeze %dma_start3A_124 : memref<1x128xi32, #tpu.memory_space<vmem>> -> memref<128xi32, #tpu.memory_space<vmem>>
    %dma_start3A_126 = arith.constant 0 : i32
    %dma_start3A_127 = arith.constant 0 : i32
    %dma_start3A_128 = tpu.memref_slice %arg7[%dma_start3A_126, %dma_start3A_127] : memref<2048x128xf32, #tpu.memory_space<vmem_shared>> -> memref<2048x128xf32, #tpu.memory_space<vmem_shared>>
    tpu.enqueue_indirect_dma source(%arg12 : memref<128x128xf32, #tpu.memory_space<vmem>>) target(%dma_start3A_128 : memref<2048x128xf32, #tpu.memory_space<vmem_shared>>) offsets(%dma_start3A_125 : memref<128xi32, #tpu.memory_space<vmem>>) semaphore(%arg21 : memref<!tpu.dma_semaphore, #tpu.memory_space<semaphore_mem>>) {add = true}
    %dma_wait3A_129 = arith.constant 2 : i32
    %dma_wait3A_130 = arith.constant 0 : i32
    %dma_wait3A_131 = tpu.memref_slice %arg9[%dma_wait3A_129, %dma_wait3A_130] : memref<8x128xi32, #tpu.memory_space<vmem>> -> memref<1x128xi32, #tpu.memory_space<vmem>>
    %dma_wait3A_132 = tpu.memref_squeeze %dma_wait3A_131 : memref<1x128xi32, #tpu.memory_space<vmem>> -> memref<128xi32, #tpu.memory_space<vmem>>
    %dma_wait3A_133 = arith.constant 0 : i32
    %dma_wait3A_134 = arith.constant 0 : i32
    %dma_wait3A_135 = tpu.memref_slice %arg7[%dma_wait3A_133, %dma_wait3A_134] : memref<2048x128xf32, #tpu.memory_space<vmem_shared>> -> memref<2048x128xf32, #tpu.memory_space<vmem_shared>>
    tpu.wait_indirect_dma semaphore(%arg21 : memref<!tpu.dma_semaphore, #tpu.memory_space<semaphore_mem>>) src(%arg12 : memref<128x128xf32, #tpu.memory_space<vmem>>) dst(%dma_wait3A_135 : memref<2048x128xf32, #tpu.memory_space<vmem_shared>>)
    %dma_start3A_136 = arith.constant 6 : i32
    %dma_start3A_137 = arith.constant 0 : i32
    %dma_start3A_138 = tpu.memref_slice %arg8[%dma_start3A_136, %dma_start3A_137] : memref<8x128xi32, #tpu.memory_space<vmem>> -> memref<1x128xi32, #tpu.memory_space<vmem>>
    %dma_start3A_139 = tpu.memref_squeeze %dma_start3A_138 : memref<1x128xi32, #tpu.memory_space<vmem>> -> memref<128xi32, #tpu.memory_space<vmem>>
    %dma_start3A_140 = arith.constant 0 : i32
    %dma_start3A_141 = arith.constant 0 : i32
    %dma_start3A_142 = tpu.memref_slice %arg4[%dma_start3A_140, %dma_start3A_141] : memref<100000x128xf32, #tpu.memory_space<hbm>> -> memref<100000x128xf32, #tpu.memory_space<hbm>>
    tpu.enqueue_indirect_dma source(%dma_start3A_142 : memref<100000x128xf32, #tpu.memory_space<hbm>>) target(%arg12 : memref<128x128xf32, #tpu.memory_space<vmem>>) offsets(%dma_start3A_139 : memref<128xi32, #tpu.memory_space<vmem>>) semaphore(%arg17 : memref<!tpu.dma_semaphore, #tpu.memory_space<semaphore_mem>>)
    %dma_wait3A_143 = arith.constant 3 : i32
    %dma_wait3A_144 = arith.constant 0 : i32
    %dma_wait3A_145 = tpu.memref_slice %arg8[%dma_wait3A_143, %dma_wait3A_144] : memref<8x128xi32, #tpu.memory_space<vmem>> -> memref<1x128xi32, #tpu.memory_space<vmem>>
    %dma_wait3A_146 = tpu.memref_squeeze %dma_wait3A_145 : memref<1x128xi32, #tpu.memory_space<vmem>> -> memref<128xi32, #tpu.memory_space<vmem>>
    %dma_wait3A_147 = arith.constant 0 : i32
    %dma_wait3A_148 = arith.constant 0 : i32
    %dma_wait3A_149 = tpu.memref_slice %arg4[%dma_wait3A_147, %dma_wait3A_148] : memref<100000x128xf32, #tpu.memory_space<hbm>> -> memref<100000x128xf32, #tpu.memory_space<hbm>>
    tpu.wait_indirect_dma semaphore(%arg18 : memref<!tpu.dma_semaphore, #tpu.memory_space<semaphore_mem>>) src(%dma_wait3A_149 : memref<100000x128xf32, #tpu.memory_space<hbm>>) dst(%arg13 : memref<128x128xf32, #tpu.memory_space<vmem>>)
    %dma_start3A_150 = arith.constant 3 : i32
    %dma_start3A_151 = arith.constant 0 : i32
    %dma_start3A_152 = tpu.memref_slice %arg9[%dma_start3A_150, %dma_start3A_151] : memref<8x128xi32, #tpu.memory_space<vmem>> -> memref<1x128xi32, #tpu.memory_space<vmem>>
    %dma_start3A_153 = tpu.memref_squeeze %dma_start3A_152 : memref<1x128xi32, #tpu.memory_space<vmem>> -> memref<128xi32, #tpu.memory_space<vmem>>
    %dma_start3A_154 = arith.constant 0 : i32
    %dma_start3A_155 = arith.constant 0 : i32
    %dma_start3A_156 = tpu.memref_slice %arg7[%dma_start3A_154, %dma_start3A_155] : memref<2048x128xf32, #tpu.memory_space<vmem_shared>> -> memref<2048x128xf32, #tpu.memory_space<vmem_shared>>
    tpu.enqueue_indirect_dma source(%arg13 : memref<128x128xf32, #tpu.memory_space<vmem>>) target(%dma_start3A_156 : memref<2048x128xf32, #tpu.memory_space<vmem_shared>>) offsets(%dma_start3A_153 : memref<128xi32, #tpu.memory_space<vmem>>) semaphore(%arg22 : memref<!tpu.dma_semaphore, #tpu.memory_space<semaphore_mem>>) {add = true}
    %dma_wait3A_157 = arith.constant 3 : i32
    %dma_wait3A_158 = arith.constant 0 : i32
    %dma_wait3A_159 = tpu.memref_slice %arg9[%dma_wait3A_157, %dma_wait3A_158] : memref<8x128xi32, #tpu.memory_space<vmem>> -> memref<1x128xi32, #tpu.memory_space<vmem>>
    %dma_wait3A_160 = tpu.memref_squeeze %dma_wait3A_159 : memref<1x128xi32, #tpu.memory_space<vmem>> -> memref<128xi32, #tpu.memory_space<vmem>>
    %dma_wait3A_161 = arith.constant 0 : i32
    %dma_wait3A_162 = arith.constant 0 : i32
    %dma_wait3A_163 = tpu.memref_slice %arg7[%dma_wait3A_161, %dma_wait3A_162] : memref<2048x128xf32, #tpu.memory_space<vmem_shared>> -> memref<2048x128xf32, #tpu.memory_space<vmem_shared>>
    tpu.wait_indirect_dma semaphore(%arg22 : memref<!tpu.dma_semaphore, #tpu.memory_space<semaphore_mem>>) src(%arg13 : memref<128x128xf32, #tpu.memory_space<vmem>>) dst(%dma_wait3A_163 : memref<2048x128xf32, #tpu.memory_space<vmem_shared>>)
    %dma_start3A_164 = arith.constant 7 : i32
    %dma_start3A_165 = arith.constant 0 : i32
    %dma_start3A_166 = tpu.memref_slice %arg8[%dma_start3A_164, %dma_start3A_165] : memref<8x128xi32, #tpu.memory_space<vmem>> -> memref<1x128xi32, #tpu.memory_space<vmem>>
    %dma_start3A_167 = tpu.memref_squeeze %dma_start3A_166 : memref<1x128xi32, #tpu.memory_space<vmem>> -> memref<128xi32, #tpu.memory_space<vmem>>
    %dma_start3A_168 = arith.constant 0 : i32
    %dma_start3A_169 = arith.constant 0 : i32
    %dma_start3A_170 = tpu.memref_slice %arg4[%dma_start3A_168, %dma_start3A_169] : memref<100000x128xf32, #tpu.memory_space<hbm>> -> memref<100000x128xf32, #tpu.memory_space<hbm>>
    tpu.enqueue_indirect_dma source(%dma_start3A_170 : memref<100000x128xf32, #tpu.memory_space<hbm>>) target(%arg13 : memref<128x128xf32, #tpu.memory_space<vmem>>) offsets(%dma_start3A_167 : memref<128xi32, #tpu.memory_space<vmem>>) semaphore(%arg18 : memref<!tpu.dma_semaphore, #tpu.memory_space<semaphore_mem>>)
    %dma_wait3A_171 = arith.constant 4 : i32
    %dma_wait3A_172 = arith.constant 0 : i32
    %dma_wait3A_173 = tpu.memref_slice %arg8[%dma_wait3A_171, %dma_wait3A_172] : memref<8x128xi32, #tpu.memory_space<vmem>> -> memref<1x128xi32, #tpu.memory_space<vmem>>
    %dma_wait3A_174 = tpu.memref_squeeze %dma_wait3A_173 : memref<1x128xi32, #tpu.memory_space<vmem>> -> memref<128xi32, #tpu.memory_space<vmem>>
    %dma_wait3A_175 = arith.constant 0 : i32
    %dma_wait3A_176 = arith.constant 0 : i32
    %dma_wait3A_177 = tpu.memref_slice %arg4[%dma_wait3A_175, %dma_wait3A_176] : memref<100000x128xf32, #tpu.memory_space<hbm>> -> memref<100000x128xf32, #tpu.memory_space<hbm>>
    tpu.wait_indirect_dma semaphore(%arg15 : memref<!tpu.dma_semaphore, #tpu.memory_space<semaphore_mem>>) src(%dma_wait3A_177 : memref<100000x128xf32, #tpu.memory_space<hbm>>) dst(%arg10 : memref<128x128xf32, #tpu.memory_space<vmem>>)
    %dma_start3A_178 = arith.constant 4 : i32
    %dma_start3A_179 = arith.constant 0 : i32
    %dma_start3A_180 = tpu.memref_slice %arg9[%dma_start3A_178, %dma_start3A_179] : memref<8x128xi32, #tpu.memory_space<vmem>> -> memref<1x128xi32, #tpu.memory_space<vmem>>
    %dma_start3A_181 = tpu.memref_squeeze %dma_start3A_180 : memref<1x128xi32, #tpu.memory_space<vmem>> -> memref<128xi32, #tpu.memory_space<vmem>>
    %dma_start3A_182 = arith.constant 0 : i32
    %dma_start3A_183 = arith.constant 0 : i32
    %dma_start3A_184 = tpu.memref_slice %arg7[%dma_start3A_182, %dma_start3A_183] : memref<2048x128xf32, #tpu.memory_space<vmem_shared>> -> memref<2048x128xf32, #tpu.memory_space<vmem_shared>>
    tpu.enqueue_indirect_dma source(%arg10 : memref<128x128xf32, #tpu.memory_space<vmem>>) target(%dma_start3A_184 : memref<2048x128xf32, #tpu.memory_space<vmem_shared>>) offsets(%dma_start3A_181 : memref<128xi32, #tpu.memory_space<vmem>>) semaphore(%arg19 : memref<!tpu.dma_semaphore, #tpu.memory_space<semaphore_mem>>) {add = true}
    %dma_wait3A_185 = arith.constant 5 : i32
    %dma_wait3A_186 = arith.constant 0 : i32
    %dma_wait3A_187 = tpu.memref_slice %arg8[%dma_wait3A_185, %dma_wait3A_186] : memref<8x128xi32, #tpu.memory_space<vmem>> -> memref<1x128xi32, #tpu.memory_space<vmem>>
    %dma_wait3A_188 = tpu.memref_squeeze %dma_wait3A_187 : memref<1x128xi32, #tpu.memory_space<vmem>> -> memref<128xi32, #tpu.memory_space<vmem>>
    %dma_wait3A_189 = arith.constant 0 : i32
    %dma_wait3A_190 = arith.constant 0 : i32
    %dma_wait3A_191 = tpu.memref_slice %arg4[%dma_wait3A_189, %dma_wait3A_190] : memref<100000x128xf32, #tpu.memory_space<hbm>> -> memref<100000x128xf32, #tpu.memory_space<hbm>>
    tpu.wait_indirect_dma semaphore(%arg16 : memref<!tpu.dma_semaphore, #tpu.memory_space<semaphore_mem>>) src(%dma_wait3A_191 : memref<100000x128xf32, #tpu.memory_space<hbm>>) dst(%arg11 : memref<128x128xf32, #tpu.memory_space<vmem>>)
    %dma_start3A_192 = arith.constant 5 : i32
    %dma_start3A_193 = arith.constant 0 : i32
    %dma_start3A_194 = tpu.memref_slice %arg9[%dma_start3A_192, %dma_start3A_193] : memref<8x128xi32, #tpu.memory_space<vmem>> -> memref<1x128xi32, #tpu.memory_space<vmem>>
    %dma_start3A_195 = tpu.memref_squeeze %dma_start3A_194 : memref<1x128xi32, #tpu.memory_space<vmem>> -> memref<128xi32, #tpu.memory_space<vmem>>
    %dma_start3A_196 = arith.constant 0 : i32
    %dma_start3A_197 = arith.constant 0 : i32
    %dma_start3A_198 = tpu.memref_slice %arg7[%dma_start3A_196, %dma_start3A_197] : memref<2048x128xf32, #tpu.memory_space<vmem_shared>> -> memref<2048x128xf32, #tpu.memory_space<vmem_shared>>
    tpu.enqueue_indirect_dma source(%arg11 : memref<128x128xf32, #tpu.memory_space<vmem>>) target(%dma_start3A_198 : memref<2048x128xf32, #tpu.memory_space<vmem_shared>>) offsets(%dma_start3A_195 : memref<128xi32, #tpu.memory_space<vmem>>) semaphore(%arg20 : memref<!tpu.dma_semaphore, #tpu.memory_space<semaphore_mem>>) {add = true}
    %dma_wait3A_199 = arith.constant 6 : i32
    %dma_wait3A_200 = arith.constant 0 : i32
    %dma_wait3A_201 = tpu.memref_slice %arg8[%dma_wait3A_199, %dma_wait3A_200] : memref<8x128xi32, #tpu.memory_space<vmem>> -> memref<1x128xi32, #tpu.memory_space<vmem>>
    %dma_wait3A_202 = tpu.memref_squeeze %dma_wait3A_201 : memref<1x128xi32, #tpu.memory_space<vmem>> -> memref<128xi32, #tpu.memory_space<vmem>>
    %dma_wait3A_203 = arith.constant 0 : i32
    %dma_wait3A_204 = arith.constant 0 : i32
    %dma_wait3A_205 = tpu.memref_slice %arg4[%dma_wait3A_203, %dma_wait3A_204] : memref<100000x128xf32, #tpu.memory_space<hbm>> -> memref<100000x128xf32, #tpu.memory_space<hbm>>
    tpu.wait_indirect_dma semaphore(%arg17 : memref<!tpu.dma_semaphore, #tpu.memory_space<semaphore_mem>>) src(%dma_wait3A_205 : memref<100000x128xf32, #tpu.memory_space<hbm>>) dst(%arg12 : memref<128x128xf32, #tpu.memory_space<vmem>>)
    %dma_start3A_206 = arith.constant 6 : i32
    %dma_start3A_207 = arith.constant 0 : i32
    %dma_start3A_208 = tpu.memref_slice %arg9[%dma_start3A_206, %dma_start3A_207] : memref<8x128xi32, #tpu.memory_space<vmem>> -> memref<1x128xi32, #tpu.memory_space<vmem>>
    %dma_start3A_209 = tpu.memref_squeeze %dma_start3A_208 : memref<1x128xi32, #tpu.memory_space<vmem>> -> memref<128xi32, #tpu.memory_space<vmem>>
    %dma_start3A_210 = arith.constant 0 : i32
    %dma_start3A_211 = arith.constant 0 : i32
    %dma_start3A_212 = tpu.memref_slice %arg7[%dma_start3A_210, %dma_start3A_211] : memref<2048x128xf32, #tpu.memory_space<vmem_shared>> -> memref<2048x128xf32, #tpu.memory_space<vmem_shared>>
    tpu.enqueue_indirect_dma source(%arg12 : memref<128x128xf32, #tpu.memory_space<vmem>>) target(%dma_start3A_212 : memref<2048x128xf32, #tpu.memory_space<vmem_shared>>) offsets(%dma_start3A_209 : memref<128xi32, #tpu.memory_space<vmem>>) semaphore(%arg21 : memref<!tpu.dma_semaphore, #tpu.memory_space<semaphore_mem>>) {add = true}
    %dma_wait3A_213 = arith.constant 7 : i32
    %dma_wait3A_214 = arith.constant 0 : i32
    %dma_wait3A_215 = tpu.memref_slice %arg8[%dma_wait3A_213, %dma_wait3A_214] : memref<8x128xi32, #tpu.memory_space<vmem>> -> memref<1x128xi32, #tpu.memory_space<vmem>>
    %dma_wait3A_216 = tpu.memref_squeeze %dma_wait3A_215 : memref<1x128xi32, #tpu.memory_space<vmem>> -> memref<128xi32, #tpu.memory_space<vmem>>
    %dma_wait3A_217 = arith.constant 0 : i32
    %dma_wait3A_218 = arith.constant 0 : i32
    %dma_wait3A_219 = tpu.memref_slice %arg4[%dma_wait3A_217, %dma_wait3A_218] : memref<100000x128xf32, #tpu.memory_space<hbm>> -> memref<100000x128xf32, #tpu.memory_space<hbm>>
    tpu.wait_indirect_dma semaphore(%arg18 : memref<!tpu.dma_semaphore, #tpu.memory_space<semaphore_mem>>) src(%dma_wait3A_219 : memref<100000x128xf32, #tpu.memory_space<hbm>>) dst(%arg13 : memref<128x128xf32, #tpu.memory_space<vmem>>)
    %dma_start3A_220 = arith.constant 7 : i32
    %dma_start3A_221 = arith.constant 0 : i32
    %dma_start3A_222 = tpu.memref_slice %arg9[%dma_start3A_220, %dma_start3A_221] : memref<8x128xi32, #tpu.memory_space<vmem>> -> memref<1x128xi32, #tpu.memory_space<vmem>>
    %dma_start3A_223 = tpu.memref_squeeze %dma_start3A_222 : memref<1x128xi32, #tpu.memory_space<vmem>> -> memref<128xi32, #tpu.memory_space<vmem>>
    %dma_start3A_224 = arith.constant 0 : i32
    %dma_start3A_225 = arith.constant 0 : i32
    %dma_start3A_226 = tpu.memref_slice %arg7[%dma_start3A_224, %dma_start3A_225] : memref<2048x128xf32, #tpu.memory_space<vmem_shared>> -> memref<2048x128xf32, #tpu.memory_space<vmem_shared>>
    tpu.enqueue_indirect_dma source(%arg13 : memref<128x128xf32, #tpu.memory_space<vmem>>) target(%dma_start3A_226 : memref<2048x128xf32, #tpu.memory_space<vmem_shared>>) offsets(%dma_start3A_223 : memref<128xi32, #tpu.memory_space<vmem>>) semaphore(%arg22 : memref<!tpu.dma_semaphore, #tpu.memory_space<semaphore_mem>>) {add = true}
    %dma_wait3A_227 = arith.constant 4 : i32
    %dma_wait3A_228 = arith.constant 0 : i32
    %dma_wait3A_229 = tpu.memref_slice %arg9[%dma_wait3A_227, %dma_wait3A_228] : memref<8x128xi32, #tpu.memory_space<vmem>> -> memref<1x128xi32, #tpu.memory_space<vmem>>
    %dma_wait3A_230 = tpu.memref_squeeze %dma_wait3A_229 : memref<1x128xi32, #tpu.memory_space<vmem>> -> memref<128xi32, #tpu.memory_space<vmem>>
    %dma_wait3A_231 = arith.constant 0 : i32
    %dma_wait3A_232 = arith.constant 0 : i32
    %dma_wait3A_233 = tpu.memref_slice %arg7[%dma_wait3A_231, %dma_wait3A_232] : memref<2048x128xf32, #tpu.memory_space<vmem_shared>> -> memref<2048x128xf32, #tpu.memory_space<vmem_shared>>
    tpu.wait_indirect_dma semaphore(%arg19 : memref<!tpu.dma_semaphore, #tpu.memory_space<semaphore_mem>>) src(%arg10 : memref<128x128xf32, #tpu.memory_space<vmem>>) dst(%dma_wait3A_233 : memref<2048x128xf32, #tpu.memory_space<vmem_shared>>)
    %dma_wait3A_234 = arith.constant 5 : i32
    %dma_wait3A_235 = arith.constant 0 : i32
    %dma_wait3A_236 = tpu.memref_slice %arg9[%dma_wait3A_234, %dma_wait3A_235] : memref<8x128xi32, #tpu.memory_space<vmem>> -> memref<1x128xi32, #tpu.memory_space<vmem>>
    %dma_wait3A_237 = tpu.memref_squeeze %dma_wait3A_236 : memref<1x128xi32, #tpu.memory_space<vmem>> -> memref<128xi32, #tpu.memory_space<vmem>>
    %dma_wait3A_238 = arith.constant 0 : i32
    %dma_wait3A_239 = arith.constant 0 : i32
    %dma_wait3A_240 = tpu.memref_slice %arg7[%dma_wait3A_238, %dma_wait3A_239] : memref<2048x128xf32, #tpu.memory_space<vmem_shared>> -> memref<2048x128xf32, #tpu.memory_space<vmem_shared>>
    tpu.wait_indirect_dma semaphore(%arg20 : memref<!tpu.dma_semaphore, #tpu.memory_space<semaphore_mem>>) src(%arg11 : memref<128x128xf32, #tpu.memory_space<vmem>>) dst(%dma_wait3A_240 : memref<2048x128xf32, #tpu.memory_space<vmem_shared>>)
    %dma_wait3A_241 = arith.constant 6 : i32
    %dma_wait3A_242 = arith.constant 0 : i32
    %dma_wait3A_243 = tpu.memref_slice %arg9[%dma_wait3A_241, %dma_wait3A_242] : memref<8x128xi32, #tpu.memory_space<vmem>> -> memref<1x128xi32, #tpu.memory_space<vmem>>
    %dma_wait3A_244 = tpu.memref_squeeze %dma_wait3A_243 : memref<1x128xi32, #tpu.memory_space<vmem>> -> memref<128xi32, #tpu.memory_space<vmem>>
    %dma_wait3A_245 = arith.constant 0 : i32
    %dma_wait3A_246 = arith.constant 0 : i32
    %dma_wait3A_247 = tpu.memref_slice %arg7[%dma_wait3A_245, %dma_wait3A_246] : memref<2048x128xf32, #tpu.memory_space<vmem_shared>> -> memref<2048x128xf32, #tpu.memory_space<vmem_shared>>
    tpu.wait_indirect_dma semaphore(%arg21 : memref<!tpu.dma_semaphore, #tpu.memory_space<semaphore_mem>>) src(%arg12 : memref<128x128xf32, #tpu.memory_space<vmem>>) dst(%dma_wait3A_247 : memref<2048x128xf32, #tpu.memory_space<vmem_shared>>)
    %dma_wait3A_248 = arith.constant 7 : i32
    %dma_wait3A_249 = arith.constant 0 : i32
    %dma_wait3A_250 = tpu.memref_slice %arg9[%dma_wait3A_248, %dma_wait3A_249] : memref<8x128xi32, #tpu.memory_space<vmem>> -> memref<1x128xi32, #tpu.memory_space<vmem>>
    %dma_wait3A_251 = tpu.memref_squeeze %dma_wait3A_250 : memref<1x128xi32, #tpu.memory_space<vmem>> -> memref<128xi32, #tpu.memory_space<vmem>>
    %dma_wait3A_252 = arith.constant 0 : i32
    %dma_wait3A_253 = arith.constant 0 : i32
    %dma_wait3A_254 = tpu.memref_slice %arg7[%dma_wait3A_252, %dma_wait3A_253] : memref<2048x128xf32, #tpu.memory_space<vmem_shared>> -> memref<2048x128xf32, #tpu.memory_space<vmem_shared>>
    tpu.wait_indirect_dma semaphore(%arg22 : memref<!tpu.dma_semaphore, #tpu.memory_space<semaphore_mem>>) src(%arg13 : memref<128x128xf32, #tpu.memory_space<vmem>>) dst(%dma_wait3A_254 : memref<2048x128xf32, #tpu.memory_space<vmem_shared>>)
    %barrier3A_255 = arith.constant 0 : index
    tpu.barrier barrier_id(%barrier3A_255)
    "tpu.region"() ({
      %run_scoped3A = tpu.sem_alloc : memref<!tpu.dma_semaphore, #tpu.memory_space<semaphore_mem>>
      %dma_start3A_256 = arith.constant 0 : i32
      %dma_start3A_257 = tpu.memref_slice %arg5[%arg0, %mul3A_2, %dma_start3A_256] : memref<2x2048x128xf32, #tpu.memory_space<hbm>> -> memref<1x128x128xf32, #tpu.memory_space<hbm>>
      %dma_start3A_258 = tpu.memref_squeeze %dma_start3A_257 : memref<1x128x128xf32, #tpu.memory_space<hbm>> -> memref<128x128xf32, #tpu.memory_space<hbm>>
      %dma_start3A_259 = arith.constant 0 : i32
      %dma_start3A_260 = tpu.memref_slice %arg7[%mul3A_2, %dma_start3A_259] : memref<2048x128xf32, #tpu.memory_space<vmem_shared>> -> memref<128x128xf32, #tpu.memory_space<vmem_shared>>
      tpu.enqueue_dma source(%dma_start3A_260 : memref<128x128xf32, #tpu.memory_space<vmem_shared>>) target(%dma_start3A_258 : memref<128x128xf32, #tpu.memory_space<hbm>>) target_semaphore(%run_scoped3A : memref<!tpu.dma_semaphore, #tpu.memory_space<semaphore_mem>>)
      %dma_wait3A_261 = arith.constant 0 : i32
      %dma_wait3A_262 = tpu.memref_slice %arg5[%arg0, %mul3A_2, %dma_wait3A_261] : memref<2x2048x128xf32, #tpu.memory_space<hbm>> -> memref<1x128x128xf32, #tpu.memory_space<hbm>>
      %dma_wait3A_263 = tpu.memref_squeeze %dma_wait3A_262 : memref<1x128x128xf32, #tpu.memory_space<hbm>> -> memref<128x128xf32, #tpu.memory_space<hbm>>
      %dma_wait3A_264 = arith.constant 0 : i32
      %dma_wait3A_265 = tpu.memref_slice %arg7[%mul3A_2, %dma_wait3A_264] : memref<2048x128xf32, #tpu.memory_space<vmem_shared>> -> memref<128x128xf32, #tpu.memory_space<vmem_shared>>
      tpu.wait_dma2 semaphore(%run_scoped3A : memref<!tpu.dma_semaphore, #tpu.memory_space<semaphore_mem>>) src(%dma_wait3A_265 : memref<128x128xf32, #tpu.memory_space<vmem_shared>>) dst(%dma_wait3A_263 : memref<128x128xf32, #tpu.memory_space<hbm>>)
      tpu.yield
    }) : () -> ()
    return
  }
}

module attributes {stable_mosaic.version = 14 : i64} {
  func.func @_tc_body(%arg0: memref<2x2048x128xf32, #tpu.memory_space<vmem>>, %arg1: memref<32x16x128xf32, #tpu.memory_space<vmem>>, %arg2: memref<1x2048xi32, #tpu.memory_space<vmem>>, %arg3: memref<128x128xf32, #tpu.memory_space<vmem>>, %arg4: memref<128x128xf32, #tpu.memory_space<vmem>>, %arg5: memref<16x128xf32, #tpu.memory_space<vmem>>) attributes {dimension_semantics = [], scalar_prefetch = 0 : i64, scratch_operands = 0 : i64, tpu.core_type = #tpu.core_type<tc>} {
    %get3A = arith.constant 0 : index
    %get3A_0 = arith.constant 0 : index
    %get3A_1 = arith.constant 0 : index
    %get3A_2 = vector.load %arg0[%get3A, %get3A_0, %get3A_1] : memref<2x2048x128xf32, #tpu.memory_space<vmem>>, vector<1x2048x128xf32>
    %get3A_3 = vector.shape_cast %get3A_2 : vector<1x2048x128xf32> to vector<2048x128xf32>
    %get3A_4 = arith.constant 1 : index
    %get3A_5 = arith.constant 0 : index
    %get3A_6 = arith.constant 0 : index
    %get3A_7 = vector.load %arg0[%get3A_4, %get3A_5, %get3A_6] : memref<2x2048x128xf32, #tpu.memory_space<vmem>>, vector<1x2048x128xf32>
    %get3A_8 = vector.shape_cast %get3A_7 : vector<1x2048x128xf32> to vector<2048x128xf32>
    %add3A = arith.addf %get3A_3, %get3A_8 : vector<2048x128xf32>
    %get3A_9 = arith.constant 0 : index
    %get3A_10 = arith.constant 0 : index
    %get3A_11 = arith.constant 0 : index
    %get3A_12 = vector.load %arg1[%get3A_9, %get3A_10, %get3A_11] : memref<32x16x128xf32, #tpu.memory_space<vmem>>, vector<32x16x128xf32>
    %reduce_sum3A = arith.constant dense<0.000000e+00> : vector<16x128xf32>
    %reduce_sum3A_13 = vector.multi_reduction <add>, %get3A_12, %reduce_sum3A [0] : vector<32x16x128xf32> to vector<16x128xf32>
    %max3A = arith.constant 1.000000e+00 : f32
    %max3A_14 = vector.broadcast %max3A : f32 to vector<16x128xf32>
    %max3A_15 = arith.maximumf %reduce_sum3A_13, %max3A_14 : vector<16x128xf32>
    %broadcast_in_dim3A = vector.shape_cast %max3A_15 : vector<16x128xf32> to vector<16x128x1xf32>
    %reshape3A = vector.shape_cast %add3A : vector<2048x128xf32> to vector<16x128x128xf32>
    %div3A = vector.broadcast %broadcast_in_dim3A : vector<16x128x1xf32> to vector<16x128x128xf32>
    %div3A_16 = arith.divf %reshape3A, %div3A : vector<16x128x128xf32>
    %reshape3A_17 = vector.shape_cast %div3A_16 : vector<16x128x128xf32> to vector<2048x128xf32>
    %get3A_18 = arith.constant 0 : index
    %get3A_19 = arith.constant 0 : index
    %get3A_20 = vector.load %arg3[%get3A_18, %get3A_19] : memref<128x128xf32, #tpu.memory_space<vmem>>, vector<128x128xf32>
    %dot_general3A = arith.constant dense<0.000000e+00> : vector<2048x128xf32>
    %dot_general3A_21 = tpu.matmul %reshape3A_17, %get3A_20, %dot_general3A {dimension_numbers = #tpu.dot_dimension_numbers<[1], [0], [0], [1], [0, 0, 1, 1], [], []>, transpose_lhs_hint = false} : vector<2048x128xf32>, vector<128x128xf32>, vector<2048x128xf32> -> vector<2048x128xf32>
    %tanh3A = math.tanh %dot_general3A_21 : vector<2048x128xf32>
    %get3A_22 = arith.constant 0 : index
    %get3A_23 = arith.constant 0 : index
    %get3A_24 = vector.load %arg2[%get3A_22, %get3A_23] : memref<1x2048xi32, #tpu.memory_space<vmem>>, vector<1x2048xi32>
    %iota3A = tpu.iota {dimensions = array<i32: 0>} : vector<16x2048xi32>
    %eq3A = vector.broadcast %get3A_24 : vector<1x2048xi32> to vector<16x2048xi32>
    %eq3A_25 = arith.cmpi eq, %iota3A, %eq3A : vector<16x2048xi32>
    %convert_element_type3A = arith.extui %eq3A_25 : vector<16x2048xi1> to vector<16x2048xi32>
    %convert_element_type3A_26 = arith.sitofp %convert_element_type3A : vector<16x2048xi32> to vector<16x2048xf32>
    %dot_general3A_27 = arith.constant dense<0.000000e+00> : vector<16x128xf32>
    %dot_general3A_28 = tpu.matmul %convert_element_type3A_26, %tanh3A, %dot_general3A_27 {dimension_numbers = #tpu.dot_dimension_numbers<[1], [0], [0], [1], [0, 0, 1, 1], [], []>, transpose_lhs_hint = false} : vector<16x2048xf32>, vector<2048x128xf32>, vector<16x128xf32> -> vector<16x128xf32>
    %reduce_sum3A_29 = arith.constant dense<0.000000e+00> : vector<16xf32>
    %reduce_sum3A_30 = vector.multi_reduction <add>, %convert_element_type3A_26, %reduce_sum3A_29 [1] : vector<16x2048xf32> to vector<16xf32>
    %broadcast_in_dim3A_31 = vector.shape_cast %reduce_sum3A_30 : vector<16xf32> to vector<16x1xf32>
    %max3A_32 = arith.constant 1.000000e+00 : f32
    %max3A_33 = vector.broadcast %max3A_32 : f32 to vector<16x1xf32>
    %max3A_34 = arith.maximumf %broadcast_in_dim3A_31, %max3A_33 : vector<16x1xf32>
    %div3A_35 = vector.broadcast %max3A_34 : vector<16x1xf32> to vector<16x128xf32>
    %div3A_36 = arith.divf %dot_general3A_28, %div3A_35 : vector<16x128xf32>
    %get3A_37 = arith.constant 0 : index
    %get3A_38 = arith.constant 0 : index
    %get3A_39 = vector.load %arg4[%get3A_37, %get3A_38] : memref<128x128xf32, #tpu.memory_space<vmem>>, vector<128x128xf32>
    %dot_general3A_40 = arith.constant dense<0.000000e+00> : vector<16x128xf32>
    %dot_general3A_41 = tpu.matmul %div3A_36, %get3A_39, %dot_general3A_40 {dimension_numbers = #tpu.dot_dimension_numbers<[1], [0], [0], [1], [0, 0, 1, 1], [], []>, transpose_lhs_hint = false} : vector<16x128xf32>, vector<128x128xf32>, vector<16x128xf32> -> vector<16x128xf32>
    %tanh3A_42 = math.tanh %dot_general3A_41 : vector<16x128xf32>
    %swap3A = arith.constant 0 : index
    %swap3A_43 = arith.constant 0 : index
    %swap3A_44 = vector.load %arg5[%swap3A, %swap3A_43] : memref<16x128xf32, #tpu.memory_space<vmem>>, vector<16x128xf32>
    tpu.vector_store %arg5[%swap3A, %swap3A_43], %tanh3A_42 {strides = array<i32>} : memref<16x128xf32, #tpu.memory_space<vmem>>, vector<16x128xf32>,
    return
  }
}

</mosaic_0001>

<sc_bundles>
// kernel: kernel.4.cloned.1.call-start
scs
__scs_entry_jumppad:
0x0: {  	(pc) =	sbr.rel $0x88, $3  }
0x1: {  	(tag) =	ssettag $0x0;
	lr =	simm.s32 $0x1  }
0x2: {  	[smem:$0x3F9B] =	sst lr;
	_ =	strace $0xD0000000  }
0x3: {  	_ = 	snop  }
0x4: {  	_ = 	snop  }
0x5: {  	_ = 	snop  }
0x6: {  	_ = 	snop  }
0x7: {  	_ = 	snop  }
__scs_overlays_trampoline_lowered:
0x8: {  	[smem:$0x3FAA] =	sst s0  }
0x9: {  	[smem:$0x3FAB] =	sst s1  }
0xa: {  	[smem:$0x3FAC] =	sst s2  }
0xb: {  	[smem:$0x3FAD] =	sst s3  }
0xc: {  	[smem:$0x3FAE] =	sst s4  }
0xd: {  	[smem:$0x3FAF] =	sst s5  }
0xe: {  	[smem:$0x3FB0] =	sst s6  }
0xf: {  	[smem:$0x3FB1] =	sst s7  }
0x10: {  	[smem:$0x3FB2] =	sst s8  }
0x11: {  	[smem:$0x3FB3] =	sst s9;
	s0 =	simm.s32 @!p0 $0x0  }
0x12: {  	s1 =	sld [smem:$0x3F99];
	s0 =	simm.s32 @p0 $0x1  }
0x13: {  	[smem:$0x3FB4] =	sst s0;
	s0 =	simm.s32 @!p1 $0x0  }
0x14: {  	s2 =	sld [smem:$0x3F98];
	s0 =	simm.s32 @p1 $0x1  }
0x15: {  	[smem:$0x3FB5] =	sst s0;
	s0 =	simm.s32 @!p2 $0x0  }
0x16: {  	s3 =	sld [smem:$0x3FDB];
	s0 =	simm.s32 @p2 $0x1  }
0x17: {  	s4 =	simm.s32 $0x1BF5;
	[smem:$0x3FB7] =	sst s0  }
0x18: {  	s0 =	sld [smem:$0x3F9A];
	_ =	swait.ge [sflag:s4], $0x0  }
0x19: {  	s7 =	sld [smem:$0x3F9B]  }
0x1a: {  	s8 =	sadd.s32 $0xFFFFE003, lr  }
0x1b: {  	s9 =	sadd.s32 $0xFFFFFEF7, lr;
	s5 =	simm.s32 $0xFFFFFFFF;
	p2 =	slt.u32 s8, $0xFFFFF086  }
0x1c: {  	p1 =	slt.u32 s9, $0xF7A;
	s5 =	simm.s32 @!p2 $0x0  }
0x1d: {  	s5 =	simm.s32 @p1 $0x1;
	p0 =	seq.s32 s7, s2  }
0x1e: {  	s7 =	smul.u32 @!p0 $0xF7A, s2;
	p2 =	seq.s32 @!p0 s5, $0x0  }
0x1f: {  	s9 =	smul.u32 $0xF7A, s1;
	s8 =	simm.s32 @!p0 $0x1BF5;
	p2 =	por !p2, p0  }
0x20: {  	[sflag:s8] =	ssyncset.s32 @!p0 $0xFFFFF086;
	s6 =	sadd.s32 @!p0 s3, s7;
	s7 =	simm.s32 @!p0 $0x108  }
0x21: {  	s3 =	sadd.s32 s3, s9;
	s6 =	sadd.s32 @!p0 $0x88, s6;
	s7 =	simm.s32 @p2 $0x1082  }
0x22: {  	[simem:s7], [sflag:s8] =	dma.local @!p0 [hbm:s6], $0xF7A  }
0x23: {  	s9 =	sor.u32 $0xD0000000, s2;
	s6 =	simm.s32 $0x108;
	_ =	swait.ge @!p0 [sflag:s8], $0x0  }
0x24: {  	s3 =	sadd.s32 $0x88, s3;
	s6 =	simm.s32 @!p1 $0x1082;
	[sflag:s4] =	ssyncset.s32 $0xFFFFF086  }
0x25: {  	[simem:s6], [sflag:s4] =	dma.local [hbm:s3], $0xF7A  }
0x26: {  	[smem:$0x3F9B] =	sst s1;
	(tag) =	ssettag s2;
	_ =	strace s9  }
0x27: {  	s1 =	sld [smem:$0x3FAB]  }
0x28: {  	s2 =	sld [smem:$0x3FAC]  }
0x29: {  	s4 =	sld [smem:$0x3FAE]  }
0x2a: {  	p0 =	seq.s32 s5, $0x0;
	s5 =	sld [smem:$0x3FAF]  }
0x2b: {  	s6 =	sld [smem:$0x3FB0]  }
0x2c: {  	s7 =	sld [smem:$0x3FB1]  }
0x2d: {  	s3 =	simm.s32 $0x108;
	s8 =	sld [smem:$0x3FB2]  }
0x2e: {  	s3 =	simm.s32 @!p0 $0x1082;
	s9 =	sld [smem:$0x3FB3]  }
0x2f: {  	lr =	sadd.s32 s0, s3;
	s0 =	sld [smem:$0x3FAA]  }
0x30: {  	s3 =	sld [smem:$0x3FAD]  }
0x31: {  	[smem:$0x3FB6] =	sst s10  }
0x32: {  	s10 =	sld [smem:$0x3FB4];
	_ =	sdelay $0x3  }
0x33: {  	p0 =	seq.s32 s10, $0x1;
	s10 =	sld [smem:$0x3FB6];
	_ =	sdelay $0x3  }
0x34: {  	[smem:$0x3FB6] =	sst s10  }
0x35: {  	s10 =	sld [smem:$0x3FB5];
	_ =	sdelay $0x3  }
0x36: {  	p1 =	seq.s32 s10, $0x1;
	s10 =	sld [smem:$0x3FB6];
	_ =	sdelay $0x3  }
0x37: {  	[smem:$0x3FB6] =	sst s10  }
0x38: {  	s10 =	sld [smem:$0x3FB7]  }
0x39: {  	_ = 	snop;
	(pc) =	sbr.ind lr, $3  }
0x3a: {  	_ = 	snop  }
0x3b: {  	_ = 	snop  }
0x3c: {  	p2 =	seq.s32 s10, $0x1;
	s10 =	sld [smem:$0x3FB6]  }
0x3d: {  	_ =	shalt  }
0x3e: {  	_ =	shalt  }
0x3f: {  	_ =	shalt  }
0x40: {  	_ =	shalt  }
0x41: {  	_ =	shalt  }
0x42: {  	_ =	shalt  }
0x43: {  	_ =	shalt  }
0x44: {  	_ =	shalt  }
0x45: {  	_ =	shalt  }
0x46: {  	_ =	shalt  }
0x47: {  	_ =	shalt  }
0x48: {  	_ =	shalt  }
0x49: {  	_ =	shalt  }
0x4a: {  	_ =	shalt  }
0x4b: {  	_ =	shalt  }
0x4c: {  	_ =	shalt  }
0x4d: {  	_ =	shalt  }
0x4e: {  	_ =	shalt  }
0x4f: {  	_ =	shalt  }
0x50: {  	_ =	shalt  }
0x51: {  	_ =	shalt  }
0x52: {  	_ =	shalt  }
0x53: {  	_ =	shalt  }
0x54: {  	_ =	shalt  }
0x55: {  	_ =	shalt  }
0x56: {  	_ =	shalt  }
0x57: {  	_ =	shalt  }
0x58: {  	_ =	shalt  }
0x59: {  	_ =	shalt  }
0x5a: {  	_ =	shalt  }
0x5b: {  	_ =	shalt  }
0x5c: {  	_ =	shalt  }
0x5d: {  	_ =	shalt  }
0x5e: {  	_ =	shalt  }
0x5f: {  	_ =	shalt  }
0x60: {  	_ =	shalt  }
0x61: {  	_ =	shalt  }
0x62: {  	_ =	shalt  }
0x63: {  	_ =	shalt  }
0x64: {  	_ =	shalt  }
0x65: {  	_ =	shalt  }
0x66: {  	_ =	shalt  }
0x67: {  	_ =	shalt  }
0x68: {  	_ =	shalt  }
0x69: {  	_ =	shalt  }
0x6a: {  	_ =	shalt  }
0x6b: {  	_ =	shalt  }
0x6c: {  	_ =	shalt  }
0x6d: {  	_ =	shalt  }
0x6e: {  	_ =	shalt  }
0x6f: {  	_ =	shalt  }
0x70: {  	_ =	shalt  }
0x71: {  	_ =	shalt  }
0x72: {  	_ =	shalt  }
0x73: {  	_ =	shalt  }
0x74: {  	_ =	shalt  }
0x75: {  	_ =	shalt  }
0x76: {  	_ =	shalt  }
0x77: {  	_ =	shalt  }
0x78: {  	_ =	shalt  }
0x79: {  	_ =	shalt  }
0x7a: {  	_ =	shalt  }
0x7b: {  	_ =	shalt  }
0x7c: {  	_ =	shalt  }
0x7d: {  	_ =	shalt  }
0x7e: {  	_ =	shalt  }
0x7f: {  	_ =	shalt  }
0x80: {  	_ =	shalt  }
0x81: {  	_ =	shalt  }
0x82: {  	_ =	shalt  }
0x83: {  	_ =	shalt  }
0x84: {  	_ =	shalt  }
0x85: {  	_ =	shalt  }
0x86: {  	_ =	shalt  }
0x87: {  	_ =	shalt  }
.Lfunc_end0:
.L_simem_size_0:
called_computation_lowered:
.L_overlay_start_0:
0x88: {  	s2 =	sld [smem:$0x3FD9]  }
0x89: {  	s3 =	sld [smem:$0x3FFE];
	_ =	sdelay $0x1  }
0x8a: {  	s1 =	srdreg.scid  }
0x8b: {  	s0 =	sand.u32 $0x1, s1  }
0x8c: {  	s17 =	sshll.u32 s0, $0xA;
	s2 =	sadd.s32 s3, s2  }
0x8d: {  	s2 =	sadd.s32 s2, s17  }
0x8e: {  	[smem:$0x3FC2] =	sst s2  }
0x8f: {  	_ = 	snop  }
0x90: {  	s2 =	sld [smem:$0x3FC9]  }
0x91: {  	s18 =	sld [smem:$0x3FC8]  }
0x92: {  	s4 =	sld [smem:$0x3FC6];
	(tm) =	ssettm $0x1  }
0x93: {  	s5 =	sld [smem:$0x3FFB];
	_ =	sdelay $0x3  }
0x94: {  	_ =	strace s5  }
0x95: {  	s5 =	sld [smem:$0x3FFC];
	_ =	sdelay $0x3  }
0x96: {  	_ =	strace s5  }
0x97: {  	s5 =	sld [smem:$0x3FFD];
	_ =	sdelay $0x3  }
0x98: {  	_ =	strace s5  }
0x99: {  	_ =	strace $0x8FFFFFFF  }
0x9a: {  	s19 =	sld [smem:$0x3FDB];
	_ =	sdelay $0x1  }
0x9b: {  	s6 =	simm.s32 $_scs_section_size  }
0x9c: {  	s7 =	simm.s32 $_size__tile_overlayer_lowered;
	s8 =	simm.s32 $_tile_overlayer_lowered  }
0x9d: {  	s22 =	simm.s32 $0x1BFF;
	s21 =	sshll.u32 s8, $0x1;
	s5 =	sadd.s32 s6, s19  }
0x9e: {  	s9 =	simm.s32 $0x0;
	s20 =	sshll.u32 s7, $0x1;
	s7 =	sadd.s32 s21, s5  }
0x9f: {  	[timem:s9], [sflag:s22] =	dma.local [hbm:s7], s20  }
0xa0: {  	_ =	swait.ge [sflag:s22], s20  }
0xa1: {  	s6 =	ssub.s32 $0x0, s20;
	[sflag:s22] =	ssyncset.done $0x0  }
0xa2: {  	[sflag:s22] =	ssyncadd.s32 s6;
	_ =	sdelay $0x1  }
0xa3: {  	s23 =	simm.s32 $0x1B8B  }
0xa4: {  	_ =	swait.ge [sflag:s23], $0x1  }
0xa5: {  	[sflag:s23] =	ssyncset.done $0x0  }
0xa6: {  	s25 =	simm.s32 $0x1B8E;
	s24 =	sld [smem:$0x3FFE];
	[sflag:s23] =	ssyncadd.s32 $0xFFFFFFFF  }
0xa7: {  	s26 =	simm.s32 $execute0_lowered;
	[smem:$0x3FD2] =	sst s25  }
0xa8: {  	s7 =	sshll.u32 s26, $0x1;
	_ =	strace $0x80000046;
	[dreg:$0x1] =	wrdreg $0xFFFFFFFF  }
0xa9: {  	s28 =	simm.s32 $_size_execute0_lowered;
	s5 =	sadd.s32 s5, s7;
	[dreg:$0x0] =	wrdreg $0x0  }
0xaa: {  	s7 =	sshll.u32 s28, $0x1;
	[dreg:$0x2] =	wrdreg s5  }
0xab: {  	[dreg:$0x3] =	wrdreg s7  }
0xac: {  	[dreg:$0x4] =	wrdreg $0xC0  }
0xad: {  	_ =	task [dreg:s9], $0x5FFFF  }
0xae: {  	[dreg:$0x1] =	wrdreg $0xFFFFFFFF  }
0xaf: {  	[dreg:$0x0] =	wrdreg $0x60  }
0xb0: {  	[dreg:$0x2] =	wrdreg s2  }
0xb1: {  	[dreg:$0x3] =	wrdreg s18  }
0xb2: {  	[dreg:$0x4] =	wrdreg s4  }
0xb3: {  	[dreg:$0x5] =	wrdreg s24  }
0xb4: {  	[dreg:$0x6] =	wrdreg $0x0  }
0xb5: {  	[dreg:$0x7] =	wrdreg $0x9  }
0xb6: {  	_ =	task.clear_ibuf [dreg:s9], $0x8FFFF;
	_ =	strace $0x90000046  }
0xb7: {  	s29 =	simm.s32 $0x9;
	_ =	strace $0x80000048  }
0xb8: {  	_ =	swait.ge [sflag:s29], $0x1  }
0xb9: {  	[sflag:s29] =	ssyncadd.s32 $0xFFFFFFFF  }
0xba: {  	_ =	strace $0x90000048  }
0xbb: {  	_ =	sfence  }
0xbc: {  	s30 =	sld [smem:$0x0];
	_ =	sdelay $0x2  }
0xbd: {  	s31 =	sshll.u32 s1, $0xD;
	s1 =	sshrl.u32 s1, $0x2  }
0xbe: {  	s3 =	sand.u32 $0x4000, s31;
	s1 =	sadd.s32 s1, s30  }
0xbf: {  	s0 =	sor.u32 s3, s0;
	s1 =	sshll.u32 s1, $0x11  }
0xc0: {  	s0 =	sor.u32 s1, s0  }
0xc1: {  	s0 =	sadd.s32 $0x8F2B, s0  }
0xc2: {  	[sflag:s0] =	ssyncadd.remote.s32 $0x1  }
0xc3: {  	_ =	sfence.sel $0xFFFF  }
0xc4: {  	[dreg:$0x0] =	wrdreg $0xFFFFFFFF;
	(pc) =	sbr.abs _section_cstart, $3  }
0xc5: {  	[dreg:$0x1] =	wrdreg $0xFFFFFFFF  }
0xc6: {  	_ =	task.clear_ibuf [dreg:s9], $0x2FFFF;
	_ =	strace $0x9FFFFFFF  }
0xc7: {  	(tm) =	ssettm $0x7FFFFFFF  }
tec
execute0_lowered:
.L_overlay_start_1:
0x0: {  	(tag) =	ssettag $0x1  }
0x1: {  	s0 =	rddreg [dreg:$0x0]  }
0x2: {  	s3 =	rddreg [dreg:$0x1]  }
0x3: {  	s1 =	rddreg [dreg:$0x2]  }
0x4: {  	s5 =	rddreg [dreg:$0x3]  }
0x5: {  	s2 =	rddreg [dreg:$0x4];
	s4 =	srdreg.scid  }
0x6: {  	s12 =	stileid.u32;
	s18 =	simm.s32 $0x4000;
	s19 =	simm.s32 $0x9  }
0x7: {  	s28 =	simm.s32 $0x14800;
	s30 =	simm.s32 $0x10800;
	s31 =	simm.s32 $0x1  }
0x8: {  	s29 =	simm.s32 $0x6;
	s7 =	sand.u32 $0x1, s4;
	s4 =	simm.s32 $0x0  }
0x9: {  	s8 =	sshll.u32 s12, $0xB;
	s21 =	sshll.u32 s12, $0xE;
	s6 =	sshll.u32 s7, $0x4  }
0xa: {  	[smem:$0x7FF] =	sst s4;
	s8 =	sadd.s32 s8, s5;
	s20 =	ssub.s32 $0x2, s7  }
0xb: {  	s26 =	sshll.u32 s7, $0xF;
	s7 =	simm.s32 $0x8;
	s6 =	sor.u32 s12, s6  }
0xc: {  	_ =	strace $0x80000047;
	s10 =	sshrl.u32 s20, $0x1;
	s9 =	sshll.u32 s6, $0x8  }
0xd: {  	s11 =	sshll.u32 s6, $0x7;
	s6 =	sadd.s32 s21, s2;
	s21 =	simm.s32 $0x4800  }
0xe: {  	s5 =	sadd.s32 s9, s5;
	s9 =	ssub.s32 s20, s10;
	s0 =	sadd.s32 s0, s11  }
0xf: {  	s22 =	sadd.s32 s3, s11;
	s23 =	sadd.s32 $0x800, s6;
	[dreg:$0x6] =	wrdreg s0  }
0x10: {  	s24 =	sadd.s32 $0x1000, s6;
	s25 =	sadd.s32 $0x1800, s6;
	[dreg:$0x7] =	wrdreg s22  }
0x11: {  	s11 =	sadd.s32 $0x2000, s6;
	s12 =	sadd.s32 $0x2800, s6;
	[dreg:$0x8] =	wrdreg s23  }
0x12: {  	s13 =	sadd.s32 $0x3000, s6;
	s14 =	sadd.s32 $0x3800, s6;
	[dreg:$0x9] =	wrdreg s24  }
0x13: {  	s20 =	simm.s32 $0x80;
	s3 =	simm.s32 $0x3;
	[dreg:$0xa] =	wrdreg s25  }
0x14: {  	s0 =	sadd.s32 s26, s8;
	s15 =	sadd.s32 $0x11200, s5;
	s17 =	smax.u32 s9, $0x1  }
0x15: {  	s23 =	simm.s32 $0x8800;
	s25 =	simm.s32 $0xC800;
	s26 =	simm.s32 $0x4400  }
0x16: {  	s24 =	simm.s32 $0x2;
	s22 =	simm.s32 $0x7;
	s5 =	simm.s32 $0x4  }
0x17: {  	v0 =	vimm.f32 $0.0e+00;
	v1 =	vimm.f32 $1.000000000e+00;
	s8 =	simm.s32 $0x0;
	s16 =	sadd.s32 $0x1200, s0;
	s0 =	simm.s32 $0x5  }
.LBB2_1:
0x18: {  	s9 =	rddreg [dreg:$0x6]  }
0x19: {  	[tilespmem:s18], [sflag:$0x9] =	stream.linear.gather [hbm4b:s9+s4], $0x400, $0x38;
	[tilespmem:$0x15000] =	vst v63  }
0x1a: {  	_ =	swait.ge [sflag:s19], $0x400  }
0x1b: {  	[sflag:s19] =	ssyncset.done $0x0  }
0x1c: {  	[sflag:s19] =	ssyncadd.s32 $0xFFFFFC00  }
0x1d: {  	[tilespmem:s21], [sflag:$0x1] =	stream.indirect.gather [hbm4b:s1+s20], $0x80, s18, s20, $0xb8;
	[tilespmem:$0x15000] =	vst v63  }
0x1e: {  	s10 =	simm.s32 $0x4080  }
0x1f: {  	[tilespmem:s23], [sflag:$0x2] =	stream.indirect.gather [hbm4b:s1+s20], $0x80, s10, s20, $0xb8;
	[tilespmem:$0x15000] =	vst v63  }
0x20: {  	s10 =	simm.s32 $0x4100  }
0x21: {  	[tilespmem:s25], [sflag:$0x3] =	stream.indirect.gather [hbm4b:s1+s20], $0x80, s10, s20, $0xb8;
	[tilespmem:$0x15000] =	vst v63  }
0x22: {  	s10 =	rddreg [dreg:$0x7]  }
0x23: {  	[tilespmem:s26], [sflag:$0x9] =	stream.linear.gather [hbm4b:s10+s4], $0x400, $0x38;
	[tilespmem:$0x15000] =	vst v63  }
0x24: {  	_ =	swait.ge [sflag:s19], $0x400  }
0x25: {  	[sflag:s19] =	ssyncset.done $0x0  }
0x26: {  	s9 =	simm.s32 $0x0;
	s10 =	simm.s32 $0x200;
	[sflag:s19] =	ssyncadd.s32 $0xFFFFFC00  }
.LBB2_2:
0x27: {  	p0 =	sne.s32 s10, $0x1E00;
	[tilespmem:s9+$0x14870] =	vst v0  }
0x28: {  	[tilespmem:s9+$0x14800] =	vst v0  }
0x29: {  	[tilespmem:s9+$0x14810] =	vst v0  }
.Ltmp0:
0x2a: {  	[tilespmem:s9+$0x14820] =	vst v0;
	(pc) =	sbr.rel @p0 .LBB2_2-.Ltmp0, $4  }
0x2b: {  	[tilespmem:s9+$0x14830] =	vst v0  }
0x2c: {  	[tilespmem:s9+$0x14840] =	vst v0  }
0x2d: {  	[tilespmem:s9+$0x14850] =	vst v0  }
0x2e: {  	[tilespmem:s9+$0x14860] =	vst v0;
	s9 =	sshra.s32 s10, $0x2;
	s10 =	sadd.s32 $0x200, s10  }
0x2f: {  	[tilespmem:s9+$0x14870] =	vst v0  }
0x30: {  	[tilespmem:s9+$0x14800] =	vst v0  }
0x31: {  	[tilespmem:s9+$0x14810] =	vst v0  }
0x32: {  	[tilespmem:s9+$0x14820] =	vst v0  }
0x33: {  	[tilespmem:s9+$0x14830] =	vst v0  }
0x34: {  	[tilespmem:s9+$0x14840] =	vst v0  }
0x35: {  	[tilespmem:s9+$0x14850] =	vst v0  }
0x36: {  	[tilespmem:s9+$0x14860] =	vst v0  }
0x37: {  	[spmem:s6] =	stream.linear.scatter [tilespmem:s28], [sflag:$0x9], $0x800, $0x38;
	[tilespmem:$0x15000] =	vst v63  }
0x38: {  	_ =	swait.ge [sflag:s19], $0x800  }
0x39: {  	[sflag:s19] =	ssyncset.done $0x0  }
0x3a: {  	s10 =	rddreg [dreg:$0x8];
	[sflag:s19] =	ssyncadd.s32 $0xFFFFF800  }
0x3b: {  	[spmem:s10] =	stream.linear.scatter [tilespmem:s28], [sflag:$0x9], $0x800, $0x38;
	[tilespmem:$0x15000] =	vst v63  }
0x3c: {  	_ =	swait.ge [sflag:s19], $0x800  }
0x3d: {  	[sflag:s19] =	ssyncset.done $0x0  }
0x3e: {  	s10 =	rddreg [dreg:$0x9];
	[sflag:s19] =	ssyncadd.s32 $0xFFFFF800  }
0x3f: {  	[spmem:s10] =	stream.linear.scatter [tilespmem:s28], [sflag:$0x9], $0x800, $0x38;
	[tilespmem:$0x15000] =	vst v63  }
0x40: {  	_ =	swait.ge [sflag:s19], $0x800  }
0x41: {  	[sflag:s19] =	ssyncset.done $0x0  }
0x42: {  	s10 =	rddreg [dreg:$0xa];
	[sflag:s19] =	ssyncadd.s32 $0xFFFFF800  }
0x43: {  	[spmem:s10] =	stream.linear.scatter [tilespmem:s28], [sflag:$0x9], $0x800, $0x38;
	[tilespmem:$0x15000] =	vst v63  }
0x44: {  	_ =	swait.ge [sflag:s19], $0x800  }
0x45: {  	[sflag:s19] =	ssyncset.done $0x0  }
0x46: {  	[sflag:s19] =	ssyncadd.s32 $0xFFFFF800  }
0x47: {  	[spmem:s11] =	stream.linear.scatter [tilespmem:s28], [sflag:$0x9], $0x800, $0x38;
	[tilespmem:$0x15000] =	vst v63  }
0x48: {  	_ =	swait.ge [sflag:s19], $0x800  }
0x49: {  	[sflag:s19] =	ssyncset.done $0x0  }
0x4a: {  	[sflag:s19] =	ssyncadd.s32 $0xFFFFF800  }
0x4b: {  	[spmem:s12] =	stream.linear.scatter [tilespmem:s28], [sflag:$0x9], $0x800, $0x38;
	[tilespmem:$0x15000] =	vst v63  }
0x4c: {  	_ =	swait.ge [sflag:s19], $0x800  }
0x4d: {  	[sflag:s19] =	ssyncset.done $0x0  }
0x4e: {  	[sflag:s19] =	ssyncadd.s32 $0xFFFFF800  }
0x4f: {  	[spmem:s13] =	stream.linear.scatter [tilespmem:s28], [sflag:$0x9], $0x800, $0x38;
	[tilespmem:$0x15000] =	vst v63  }
0x50: {  	_ =	swait.ge [sflag:s19], $0x800  }
0x51: {  	[sflag:s19] =	ssyncset.done $0x0  }
0x52: {  	[sflag:s19] =	ssyncadd.s32 $0xFFFFF800  }
0x53: {  	[spmem:s14] =	stream.linear.scatter [tilespmem:s28], [sflag:$0x9], $0x800, $0x38;
	[tilespmem:$0x15000] =	vst v63  }
0x54: {  	_ =	swait.ge [sflag:s19], $0x800  }
0x55: {  	[sflag:s19] =	ssyncset.done $0x0  }
0x56: {  	[sflag:s19] =	ssyncadd.s32 $0xFFFFF800  }
0x57: {  	v2 =	vld [tilespmem:$0x4400];
	_ =	sdelay $0x7  }
0x58: {  	[tilespmem:v2+s28+$0x0] =	vst.idx.add.f32.msk $0xffff, v1  }
0x59: {  	v2 =	vld [tilespmem:$0x4410];
	_ =	sdelay $0x7  }
0x5a: {  	[tilespmem:v2+s28+$0x0] =	vst.idx.add.f32.msk $0xffff, v1  }
0x5b: {  	v2 =	vld [tilespmem:$0x4420];
	_ =	sdelay $0x7  }
0x5c: {  	[tilespmem:v2+s28+$0x0] =	vst.idx.add.f32.msk $0xffff, v1  }
0x5d: {  	v2 =	vld [tilespmem:$0x4430];
	_ =	sdelay $0x7  }
0x5e: {  	[tilespmem:v2+s28+$0x0] =	vst.idx.add.f32.msk $0xffff, v1  }
0x5f: {  	v2 =	vld [tilespmem:$0x4440];
	_ =	sdelay $0x7  }
0x60: {  	[tilespmem:v2+s28+$0x0] =	vst.idx.add.f32.msk $0xffff, v1  }
0x61: {  	v2 =	vld [tilespmem:$0x4450];
	_ =	sdelay $0x7  }
0x62: {  	[tilespmem:v2+s28+$0x0] =	vst.idx.add.f32.msk $0xffff, v1  }
0x63: {  	v2 =	vld [tilespmem:$0x4460];
	_ =	sdelay $0x7  }
0x64: {  	[tilespmem:v2+s28+$0x0] =	vst.idx.add.f32.msk $0xffff, v1  }
0x65: {  	v2 =	vld [tilespmem:$0x4470];
	_ =	sdelay $0x7  }
0x66: {  	[tilespmem:v2+s28+$0x0] =	vst.idx.add.f32.msk $0xffff, v1  }
0x67: {  	v2 =	vld [tilespmem:$0x4480];
	_ =	sdelay $0x7  }
0x68: {  	[tilespmem:v2+s28+$0x0] =	vst.idx.add.f32.msk $0xffff, v1  }
0x69: {  	v2 =	vld [tilespmem:$0x4490];
	_ =	sdelay $0x7  }
0x6a: {  	[tilespmem:v2+s28+$0x0] =	vst.idx.add.f32.msk $0xffff, v1  }
0x6b: {  	v2 =	vld [tilespmem:$0x44A0];
	_ =	sdelay $0x7  }
0x6c: {  	[tilespmem:v2+s28+$0x0] =	vst.idx.add.f32.msk $0xffff, v1  }
0x6d: {  	v2 =	vld [tilespmem:$0x44B0];
	_ =	sdelay $0x7  }
0x6e: {  	[tilespmem:v2+s28+$0x0] =	vst.idx.add.f32.msk $0xffff, v1  }
0x6f: {  	v2 =	vld [tilespmem:$0x44C0];
	_ =	sdelay $0x7  }
0x70: {  	[tilespmem:v2+s28+$0x0] =	vst.idx.add.f32.msk $0xffff, v1  }
0x71: {  	v2 =	vld [tilespmem:$0x44D0];
	_ =	sdelay $0x7  }
0x72: {  	[tilespmem:v2+s28+$0x0] =	vst.idx.add.f32.msk $0xffff, v1  }
0x73: {  	v2 =	vld [tilespmem:$0x44E0];
	_ =	sdelay $0x7  }
0x74: {  	[tilespmem:v2+s28+$0x0] =	vst.idx.add.f32.msk $0xffff, v1  }
0x75: {  	v2 =	vld [tilespmem:$0x44F0];
	_ =	sdelay $0x7  }
0x76: {  	[tilespmem:v2+s28+$0x0] =	vst.idx.add.f32.msk $0xffff, v1  }
0x77: {  	v2 =	vld [tilespmem:$0x4500];
	_ =	sdelay $0x7  }
0x78: {  	[tilespmem:v2+s28+$0x0] =	vst.idx.add.f32.msk $0xffff, v1  }
0x79: {  	v2 =	vld [tilespmem:$0x4510];
	_ =	sdelay $0x7  }
0x7a: {  	[tilespmem:v2+s28+$0x0] =	vst.idx.add.f32.msk $0xffff, v1  }
0x7b: {  	v2 =	vld [tilespmem:$0x4520];
	_ =	sdelay $0x7  }
0x7c: {  	[tilespmem:v2+s28+$0x0] =	vst.idx.add.f32.msk $0xffff, v1  }
0x7d: {  	v2 =	vld [tilespmem:$0x4530];
	_ =	sdelay $0x7  }
0x7e: {  	[tilespmem:v2+s28+$0x0] =	vst.idx.add.f32.msk $0xffff, v1  }
0x7f: {  	v2 =	vld [tilespmem:$0x4540];
	_ =	sdelay $0x7  }
0x80: {  	[tilespmem:v2+s28+$0x0] =	vst.idx.add.f32.msk $0xffff, v1  }
0x81: {  	v2 =	vld [tilespmem:$0x4550];
	_ =	sdelay $0x7  }
0x82: {  	[tilespmem:v2+s28+$0x0] =	vst.idx.add.f32.msk $0xffff, v1  }
0x83: {  	v2 =	vld [tilespmem:$0x4560];
	_ =	sdelay $0x7  }
0x84: {  	[tilespmem:v2+s28+$0x0] =	vst.idx.add.f32.msk $0xffff, v1  }
0x85: {  	v2 =	vld [tilespmem:$0x4570];
	_ =	sdelay $0x7  }
0x86: {  	[tilespmem:v2+s28+$0x0] =	vst.idx.add.f32.msk $0xffff, v1  }
0x87: {  	v2 =	vld [tilespmem:$0x4580];
	_ =	sdelay $0x7  }
0x88: {  	[tilespmem:v2+s28+$0x0] =	vst.idx.add.f32.msk $0xffff, v1  }
0x89: {  	v2 =	vld [tilespmem:$0x4590];
	_ =	sdelay $0x7  }
0x8a: {  	[tilespmem:v2+s28+$0x0] =	vst.idx.add.f32.msk $0xffff, v1  }
0x8b: {  	v2 =	vld [tilespmem:$0x45A0];
	_ =	sdelay $0x7  }
0x8c: {  	[tilespmem:v2+s28+$0x0] =	vst.idx.add.f32.msk $0xffff, v1  }
0x8d: {  	v2 =	vld [tilespmem:$0x45B0];
	_ =	sdelay $0x7  }
0x8e: {  	[tilespmem:v2+s28+$0x0] =	vst.idx.add.f32.msk $0xffff, v1  }
0x8f: {  	v2 =	vld [tilespmem:$0x45C0];
	_ =	sdelay $0x7  }
0x90: {  	[tilespmem:v2+s28+$0x0] =	vst.idx.add.f32.msk $0xffff, v1  }
0x91: {  	v2 =	vld [tilespmem:$0x45D0];
	_ =	sdelay $0x7  }
0x92: {  	[tilespmem:v2+s28+$0x0] =	vst.idx.add.f32.msk $0xffff, v1  }
0x93: {  	v2 =	vld [tilespmem:$0x45E0];
	_ =	sdelay $0x7  }
0x94: {  	[tilespmem:v2+s28+$0x0] =	vst.idx.add.f32.msk $0xffff, v1  }
0x95: {  	v2 =	vld [tilespmem:$0x45F0];
	_ =	sdelay $0x7  }
0x96: {  	[tilespmem:v2+s28+$0x0] =	vst.idx.add.f32.msk $0xffff, v1  }
0x97: {  	v2 =	vld [tilespmem:$0x4600];
	_ =	sdelay $0x7  }
0x98: {  	[tilespmem:v2+s28+$0x0] =	vst.idx.add.f32.msk $0xffff, v1  }
0x99: {  	v2 =	vld [tilespmem:$0x4610];
	_ =	sdelay $0x7  }
0x9a: {  	[tilespmem:v2+s28+$0x0] =	vst.idx.add.f32.msk $0xffff, v1  }
0x9b: {  	v2 =	vld [tilespmem:$0x4620];
	_ =	sdelay $0x7  }
0x9c: {  	[tilespmem:v2+s28+$0x0] =	vst.idx.add.f32.msk $0xffff, v1  }
0x9d: {  	v2 =	vld [tilespmem:$0x4630];
	_ =	sdelay $0x7  }
0x9e: {  	[tilespmem:v2+s28+$0x0] =	vst.idx.add.f32.msk $0xffff, v1  }
0x9f: {  	v2 =	vld [tilespmem:$0x4640];
	_ =	sdelay $0x7  }
0xa0: {  	[tilespmem:v2+s28+$0x0] =	vst.idx.add.f32.msk $0xffff, v1  }
0xa1: {  	v2 =	vld [tilespmem:$0x4650];
	_ =	sdelay $0x7  }
0xa2: {  	[tilespmem:v2+s28+$0x0] =	vst.idx.add.f32.msk $0xffff, v1  }
0xa3: {  	v2 =	vld [tilespmem:$0x4660];
	_ =	sdelay $0x7  }
0xa4: {  	[tilespmem:v2+s28+$0x0] =	vst.idx.add.f32.msk $0xffff, v1  }
0xa5: {  	v2 =	vld [tilespmem:$0x4670];
	_ =	sdelay $0x7  }
0xa6: {  	[tilespmem:v2+s28+$0x0] =	vst.idx.add.f32.msk $0xffff, v1  }
0xa7: {  	v2 =	vld [tilespmem:$0x4680];
	_ =	sdelay $0x7  }
0xa8: {  	[tilespmem:v2+s28+$0x0] =	vst.idx.add.f32.msk $0xffff, v1  }
0xa9: {  	v2 =	vld [tilespmem:$0x4690];
	_ =	sdelay $0x7  }
0xaa: {  	[tilespmem:v2+s28+$0x0] =	vst.idx.add.f32.msk $0xffff, v1  }
0xab: {  	v2 =	vld [tilespmem:$0x46A0];
	_ =	sdelay $0x7  }
0xac: {  	[tilespmem:v2+s28+$0x0] =	vst.idx.add.f32.msk $0xffff, v1  }
0xad: {  	v2 =	vld [tilespmem:$0x46B0];
	_ =	sdelay $0x7  }
0xae: {  	[tilespmem:v2+s28+$0x0] =	vst.idx.add.f32.msk $0xffff, v1  }
0xaf: {  	v2 =	vld [tilespmem:$0x46C0];
	_ =	sdelay $0x7  }
0xb0: {  	[tilespmem:v2+s28+$0x0] =	vst.idx.add.f32.msk $0xffff, v1  }
0xb1: {  	v2 =	vld [tilespmem:$0x46D0];
	_ =	sdelay $0x7  }
0xb2: {  	[tilespmem:v2+s28+$0x0] =	vst.idx.add.f32.msk $0xffff, v1  }
0xb3: {  	v2 =	vld [tilespmem:$0x46E0];
	_ =	sdelay $0x7  }
0xb4: {  	[tilespmem:v2+s28+$0x0] =	vst.idx.add.f32.msk $0xffff, v1  }
0xb5: {  	v2 =	vld [tilespmem:$0x46F0];
	_ =	sdelay $0x7  }
0xb6: {  	[tilespmem:v2+s28+$0x0] =	vst.idx.add.f32.msk $0xffff, v1  }
0xb7: {  	v2 =	vld [tilespmem:$0x4700];
	_ =	sdelay $0x7  }
0xb8: {  	[tilespmem:v2+s28+$0x0] =	vst.idx.add.f32.msk $0xffff, v1  }
0xb9: {  	v2 =	vld [tilespmem:$0x4710];
	_ =	sdelay $0x7  }
0xba: {  	[tilespmem:v2+s28+$0x0] =	vst.idx.add.f32.msk $0xffff, v1  }
0xbb: {  	v2 =	vld [tilespmem:$0x4720];
	_ =	sdelay $0x7  }
0xbc: {  	[tilespmem:v2+s28+$0x0] =	vst.idx.add.f32.msk $0xffff, v1  }
0xbd: {  	v2 =	vld [tilespmem:$0x4730];
	_ =	sdelay $0x7  }
0xbe: {  	[tilespmem:v2+s28+$0x0] =	vst.idx.add.f32.msk $0xffff, v1  }
0xbf: {  	v2 =	vld [tilespmem:$0x4740];
	_ =	sdelay $0x7  }
0xc0: {  	[tilespmem:v2+s28+$0x0] =	vst.idx.add.f32.msk $0xffff, v1  }
0xc1: {  	v2 =	vld [tilespmem:$0x4750];
	_ =	sdelay $0x7  }
0xc2: {  	[tilespmem:v2+s28+$0x0] =	vst.idx.add.f32.msk $0xffff, v1  }
0xc3: {  	v2 =	vld [tilespmem:$0x4760];
	_ =	sdelay $0x7  }
0xc4: {  	[tilespmem:v2+s28+$0x0] =	vst.idx.add.f32.msk $0xffff, v1  }
0xc5: {  	v2 =	vld [tilespmem:$0x4770];
	_ =	sdelay $0x7  }
0xc6: {  	[tilespmem:v2+s28+$0x0] =	vst.idx.add.f32.msk $0xffff, v1  }
0xc7: {  	v2 =	vld [tilespmem:$0x4780];
	_ =	sdelay $0x7  }
0xc8: {  	[tilespmem:v2+s28+$0x0] =	vst.idx.add.f32.msk $0xffff, v1  }
0xc9: {  	v2 =	vld [tilespmem:$0x4790];
	_ =	sdelay $0x7  }
0xca: {  	[tilespmem:v2+s28+$0x0] =	vst.idx.add.f32.msk $0xffff, v1  }
0xcb: {  	v2 =	vld [tilespmem:$0x47A0];
	_ =	sdelay $0x7  }
0xcc: {  	[tilespmem:v2+s28+$0x0] =	vst.idx.add.f32.msk $0xffff, v1  }
0xcd: {  	v2 =	vld [tilespmem:$0x47B0];
	_ =	sdelay $0x7  }
0xce: {  	[tilespmem:v2+s28+$0x0] =	vst.idx.add.f32.msk $0xffff, v1  }
0xcf: {  	v2 =	vld [tilespmem:$0x47C0];
	_ =	sdelay $0x7  }
0xd0: {  	[tilespmem:v2+s28+$0x0] =	vst.idx.add.f32.msk $0xffff, v1  }
0xd1: {  	v2 =	vld [tilespmem:$0x47D0];
	_ =	sdelay $0x7  }
0xd2: {  	[tilespmem:v2+s28+$0x0] =	vst.idx.add.f32.msk $0xffff, v1  }
0xd3: {  	v2 =	vld [tilespmem:$0x47E0];
	_ =	sdelay $0x7  }
0xd4: {  	[tilespmem:v2+s28+$0x0] =	vst.idx.add.f32.msk $0xffff, v1  }
0xd5: {  	v2 =	vld [tilespmem:$0x47F0];
	_ =	sdelay $0x7  }
0xd6: {  	[tilespmem:v2+s28+$0x0] =	vst.idx.add.f32.msk $0xffff, v1  }
0xd7: {  	[hbm4b:s15+s4] =	stream.linear.scatter [tilespmem:s28], [sflag:$0x9], $0x800, $0x38;
	[tilespmem:$0x15000] =	vst v63  }
0xd8: {  	_ =	swait.ge [sflag:s19], $0x800  }
0xd9: {  	[sflag:s19] =	ssyncset.done $0x0  }
0xda: {  	[sflag:s19] =	ssyncadd.s32 $0xFFFFF800  }
0xdb: {  	s10 =	simm.s32 $0x4180;
	[bflag:$0x0] =	sbarrier.arrive $0xFFFF  }
0xdc: {  	[tilespmem:s30], [sflag:$0x4] =	stream.indirect.gather [hbm4b:s1+s20], $0x80, s10, s20, $0xb8;
	[tilespmem:$0x15000] =	vst v63  }
0xdd: {  	_ =	swait.ge [sflag:s31], $0x4000  }
0xde: {  	[sflag:s31] =	ssyncset.done $0x0  }
0xdf: {  	[sflag:s31] =	ssyncadd.s32 $0xFFFFC000  }
0xe0: {  	[spmem:s2] =	stream.indirect.scatter.add.f32 [tilespmem:s21], [sflag:$0x5], $0x80, s26, s20, $0xb8;
	[tilespmem:$0x15000] =	vst v63  }
0xe1: {  	_ =	swait.ge [sflag:s0], $0x4000  }
0xe2: {  	[sflag:s0] =	ssyncset.done $0x0  }
0xe3: {  	s10 =	simm.s32 $0x4200;
	[sflag:s0] =	ssyncadd.s32 $0xFFFFC000  }
0xe4: {  	[tilespmem:s21], [sflag:$0x1] =	stream.indirect.gather [hbm4b:s1+s20], $0x80, s10, s20, $0xb8;
	[tilespmem:$0x15000] =	vst v63  }
0xe5: {  	_ =	swait.ge [sflag:s24], $0x4000  }
0xe6: {  	[sflag:s24] =	ssyncset.done $0x0  }
0xe7: {  	s10 =	simm.s32 $0x4480;
	[sflag:s24] =	ssyncadd.s32 $0xFFFFC000  }
0xe8: {  	[spmem:s2] =	stream.indirect.scatter.add.f32 [tilespmem:s23], [sflag:$0x6], $0x80, s10, s20, $0xb8;
	[tilespmem:$0x15000] =	vst v63  }
0xe9: {  	_ =	swait.ge [sflag:s29], $0x4000  }
0xea: {  	[sflag:s29] =	ssyncset.done $0x0  }
0xeb: {  	s10 =	simm.s32 $0x4280;
	[sflag:s29] =	ssyncadd.s32 $0xFFFFC000  }
0xec: {  	[tilespmem:s23], [sflag:$0x2] =	stream.indirect.gather [hbm4b:s1+s20], $0x80, s10, s20, $0xb8;
	[tilespmem:$0x15000] =	vst v63  }
0xed: {  	_ =	swait.ge [sflag:s3], $0x4000  }
0xee: {  	[sflag:s3] =	ssyncset.done $0x0  }
0xef: {  	s10 =	simm.s32 $0x4500;
	[sflag:s3] =	ssyncadd.s32 $0xFFFFC000  }
0xf0: {  	[spmem:s2] =	stream.indirect.scatter.add.f32 [tilespmem:s25], [sflag:$0x7], $0x80, s10, s20, $0xb8;
	[tilespmem:$0x15000] =	vst v63  }
0xf1: {  	_ =	swait.ge [sflag:s22], $0x4000  }
0xf2: {  	[sflag:s22] =	ssyncset.done $0x0  }
0xf3: {  	s10 =	simm.s32 $0x4300;
	[sflag:s22] =	ssyncadd.s32 $0xFFFFC000  }
0xf4: {  	[tilespmem:s25], [sflag:$0x3] =	stream.indirect.gather [hbm4b:s1+s20], $0x80, s10, s20, $0xb8;
	[tilespmem:$0x15000] =	vst v63  }
0xf5: {  	_ =	swait.ge [sflag:s5], $0x4000  }
0xf6: {  	[sflag:s5] =	ssyncset.done $0x0  }
0xf7: {  	s10 =	simm.s32 $0x4580;
	[sflag:s5] =	ssyncadd.s32 $0xFFFFC000  }
0xf8: {  	[spmem:s2] =	stream.indirect.scatter.add.f32 [tilespmem:s30], [sflag:$0x8], $0x80, s10, s20, $0xb8;
	[tilespmem:$0x15000] =	vst v63  }
0xf9: {  	_ =	swait.ge [sflag:s7], $0x4000  }
0xfa: {  	[sflag:s7] =	ssyncset.done $0x0  }
0xfb: {  	s10 =	simm.s32 $0x4380;
	[sflag:s7] =	ssyncadd.s32 $0xFFFFC000  }
0xfc: {  	[tilespmem:s30], [sflag:$0x4] =	stream.indirect.gather [hbm4b:s1+s20], $0x80, s10, s20, $0xb8;
	[tilespmem:$0x15000] =	vst v63  }
0xfd: {  	_ =	swait.ge [sflag:s31], $0x4000  }
0xfe: {  	[sflag:s31] =	ssyncset.done $0x0  }
0xff: {  	s10 =	simm.s32 $0x4600;
	[sflag:s31] =	ssyncadd.s32 $0xFFFFC000  }
0x100: {  	[spmem:s2] =	stream.indirect.scatter.add.f32 [tilespmem:s21], [sflag:$0x5], $0x80, s10, s20, $0xb8;
	[tilespmem:$0x15000] =	vst v63  }
0x101: {  	_ =	swait.ge [sflag:s24], $0x4000  }
0x102: {  	[sflag:s24] =	ssyncset.done $0x0  }
0x103: {  	s10 =	simm.s32 $0x4680;
	[sflag:s24] =	ssyncadd.s32 $0xFFFFC000  }
0x104: {  	[spmem:s2] =	stream.indirect.scatter.add.f32 [tilespmem:s23], [sflag:$0x6], $0x80, s10, s20, $0xb8;
	[tilespmem:$0x15000] =	vst v63  }
0x105: {  	_ =	swait.ge [sflag:s3], $0x4000  }
0x106: {  	[sflag:s3] =	ssyncset.done $0x0  }
0x107: {  	s10 =	simm.s32 $0x4700;
	[sflag:s3] =	ssyncadd.s32 $0xFFFFC000  }
0x108: {  	[spmem:s2] =	stream.indirect.scatter.add.f32 [tilespmem:s25], [sflag:$0x7], $0x80, s10, s20, $0xb8;
	[tilespmem:$0x15000] =	vst v63  }
0x109: {  	_ =	swait.ge [sflag:s5], $0x4000  }
0x10a: {  	[sflag:s5] =	ssyncset.done $0x0  }
0x10b: {  	s10 =	simm.s32 $0x4780;
	[sflag:s5] =	ssyncadd.s32 $0xFFFFC000  }
0x10c: {  	[spmem:s2] =	stream.indirect.scatter.add.f32 [tilespmem:s30], [sflag:$0x8], $0x80, s10, s20, $0xb8;
	[tilespmem:$0x15000] =	vst v63  }
0x10d: {  	_ =	swait.ge [sflag:s0], $0x4000  }
0x10e: {  	[sflag:s0] =	ssyncset.done $0x0  }
0x10f: {  	[sflag:s0] =	ssyncadd.s32 $0xFFFFC000  }
0x110: {  	_ =	swait.ge [sflag:s29], $0x4000  }
0x111: {  	[sflag:s29] =	ssyncset.done $0x0  }
0x112: {  	[sflag:s29] =	ssyncadd.s32 $0xFFFFC000  }
0x113: {  	_ =	swait.ge [sflag:s22], $0x4000  }
0x114: {  	[sflag:s22] =	ssyncset.done $0x0  }
0x115: {  	[sflag:s22] =	ssyncadd.s32 $0xFFFFC000  }
0x116: {  	s8 =	sadd.s32 $0x1, s8;
	_ =	swait.ge [sflag:s7], $0x4000  }
0x117: {  	p0 =	sne.s32 s8, s17;
	s10 =	stileid.u32;
	[sflag:s7] =	ssyncset.done $0x0  }
0x118: {  	s9 =	sshll.u32 s10, $0x6;
	s10 =	sshrl.u32 s6, $0x3;
	[sflag:s7] =	ssyncadd.s32 $0xFFFFC000  }
.Ltmp1:
0x119: {  	s9 =	sor.u32 $0x1C09, s9;
	[bflag:$0x0] =	sbarrier.arrive $0xFFFF;
	(pc) =	sbr.rel @p0 .LBB2_1-.Ltmp1, $4  }
0x11a: {  	[hbm:s16], [sflag:s9] =	dma.local [spmem:s10], $0x800  }
0x11b: {  	_ =	swait.ge [sflag:s19], $0x800  }
0x11c: {  	[sflag:s19] =	ssyncset.done $0x0  }
0x11d: {  	[sflag:s19] =	ssyncadd.s32 $0xFFFFF800  }
0x11e: {  	_ =	sfence.sel $0x180000  }
0x11f: {  	[bflag:$0x0] =	sbarrier.arrive $0xFFFF  }
0x120: {  	_ =	strace $0x90000047  }
0x121: {  	s0 =	stileid.u32;
	[bflag:$0x2] =	sbarrier.arrive $0xFFFF  }
0x122: {  	p0 =	sne.s32 s0, $0x0;
	s0 =	rddreg [dreg:$0x5]  }
0x123: {  	s0 =	sadd.s32 @!p0 $0x100000, s0  }
0x124: {  	[sflag:s0] =	ssyncadd.tile.s32 @!p0 $0x1;
	_ =	shalt  }
.Lfunc_end2:
_tile_overlayer_lowered:
.L_overlay_start_2:
0x125: {  	(tag) =	ssettag $0x2  }
0x126: {  	s0 =	rddreg [dreg:$0x0];
	s2 =	stileid.u32  }
0x127: {  	s1 =	rddreg [dreg:$0x1];
	p0 =	sne.s32 s2, $0x0  }
0x128: {  	s3 =	rddreg [dreg:$0x2];
	[bflag:$0x3] =	sbarrier.arrive $0xFFFF;
	s2 =	simm.s32 @!p0 $0x1C09  }
0x129: {  	[timem:s3], [sflag:s2] =	dma.local @!p0 [hbm:s0], s1  }
0x12a: {  	s0 =	simm.s32 @!p0 $0x9  }
0x12b: {  	_ =	swait.ge @!p0 [sflag:s0], s1  }
0x12c: {  	s1 =	ssub.s32 @!p0 $0x0, s1;
	[sflag:s0] =	ssyncset.done @!p0 $0x0  }
0x12d: {  	[sflag:s0] =	ssyncadd.s32 @!p0 s1  }
0x12e: {  	[bflag:$0x3] =	sbarrier.arrive $0xFFFF  }
0x12f: {  	_ =	shalt  }

</sc_bundles>
